<compile_context>
chip_gen: v7x
topology: tpu7x:2x2x1
jax: 0.10.2.dev20260603
libtpu: 0.0.44.dev20260713+nightly
codegen_flags: <defaults>
</compile_context>

<pallas_src>
import functools

import jax
import jax.numpy as jnp
from jax import lax
from jax.experimental import pallas as pl
from jax.experimental.pallas import tpu as pltpu
from jax.experimental.pallas import tpu_sc as plsc

N = 10000
E = 320000
F = 128
H = 16
C = 40

NC = 2
NS = 16
NW = NC * NS

EPT = E // NW
CHUNK = 128
N_FULL = EPT // CHUNK
TAIL = EPT - N_FULL * CHUNK
DEPTH = 6
ROWS_PER_TILE = 640
N_PAD = NS * ROWS_PER_TILE
TROWS = N // NS


@functools.lru_cache(maxsize=None)
def _make_edge_agg(D):
    mesh = plsc.VectorSubcoreMesh(core_axis_name="c", subcore_axis_name="s")

    @functools.partial(
        pl.kernel,
        mesh=mesh,
        compiler_params=pltpu.CompilerParams(use_tc_tiling_on_sc=False),
        out_type=jax.ShapeDtypeStruct((NC, N_PAD, D), jnp.float32),
        scratch_types=[
            pltpu.VMEM((EPT,), jnp.int32),
            pltpu.VMEM((EPT,), jnp.int32),
            [pltpu.VMEM((CHUNK, D), jnp.float32) for _ in range(DEPTH)],
            [pltpu.SemaphoreType.DMA for _ in range(DEPTH)],
            pltpu.VMEM_SHARED((N_PAD, D), jnp.float32),
            pltpu.VMEM_SHARED((N, D), jnp.float32),
        ],
    )
    def edge_agg(ei_hbm, t_hbm, z_hbm, out_hbm, src_v, dst_v, rows, sems, acc, tbl):
        c = lax.axis_index("c")
        s = lax.axis_index("s")
        w = c * NS + s

        pltpu.sync_copy(z_hbm, acc.at[pl.ds(s * ROWS_PER_TILE, ROWS_PER_TILE)])

        pltpu.sync_copy(t_hbm.at[pl.ds(s * TROWS, TROWS)],
                        tbl.at[pl.ds(s * TROWS, TROWS)])
        pltpu.sync_copy(ei_hbm.at[0, pl.ds(w * EPT, EPT)], src_v)
        pltpu.sync_copy(ei_hbm.at[1, pl.ds(w * EPT, EPT)], dst_v)

        plsc.subcore_barrier()

        def start_gather(j, k):
            pltpu.make_async_copy(tbl.at[src_v.at[pl.ds(j * CHUNK, CHUNK)]],
                                  rows[k], sems[k]).start()

        def wait_gather(j, k):
            pltpu.make_async_copy(tbl.at[src_v.at[pl.ds(j * CHUNK, CHUNK)]],
                                  rows[k], sems[k]).wait()

        for k in range(DEPTH):
            start_gather(k, k)

        def body(jj, carry):
            for k in range(DEPTH):
                j = DEPTH * jj + k
                wait_gather(j, k)
                pltpu.sync_copy(rows[k],
                                acc.at[dst_v.at[pl.ds(j * CHUNK, CHUNK)]],
                                add=True)

                @pl.when(j + DEPTH < N_FULL)
                def _():
                    start_gather(j + DEPTH, k)

            return carry

        lax.fori_loop(0, N_FULL // DEPTH, body, 0)

        tail = N_FULL * CHUNK
        pltpu.make_async_copy(tbl.at[src_v.at[pl.ds(tail, TAIL)]],
                              rows[0].at[pl.ds(0, TAIL)], sems[0]).start()
        pltpu.make_async_copy(tbl.at[src_v.at[pl.ds(tail, TAIL)]],
                              rows[0].at[pl.ds(0, TAIL)], sems[0]).wait()
        pltpu.sync_copy(rows[0].at[pl.ds(0, TAIL)],
                        acc.at[dst_v.at[pl.ds(tail, TAIL)]], add=True)

        plsc.subcore_barrier()

        pltpu.sync_copy(acc.at[pl.ds(s * ROWS_PER_TILE, ROWS_PER_TILE)],
                        out_hbm.at[c, pl.ds(s * ROWS_PER_TILE, ROWS_PER_TILE)])

    return edge_agg


def _tc_in(x, W1):
    def body(x_ref, w_ref, o_ref):
        o_ref[...] = jnp.dot(x_ref[...], w_ref[...],
                             preferred_element_type=jnp.float32)

    return pl.pallas_call(
        body,
        out_shape=jax.ShapeDtypeStruct((N, H), jnp.float32),
    )(x, W1)


def _tc_mid(p1, W2, b1):
    def body(p_ref, w_ref, b_ref, o_ref):
        h = p_ref[0] + p_ref[1] + b_ref[...]
        h = jnp.maximum(h, 0.0)
        o_ref[...] = jnp.dot(h, w_ref[...], preferred_element_type=jnp.float32)

    return pl.pallas_call(
        body,
        out_shape=jax.ShapeDtypeStruct((N_PAD, C), jnp.float32),
    )(p1, W2, b1.reshape(1, H))


def _tc_out(p2, b2):
    def body(p_ref, b_ref, o_ref):
        v = p_ref[0, :N, :] + p_ref[1, :N, :] + b_ref[...]
        m = jnp.max(v, axis=1, keepdims=True)
        e = jnp.exp(v - m)
        o_ref[...] = e / jnp.sum(e, axis=1, keepdims=True)

    return pl.pallas_call(
        body,
        out_shape=jax.ShapeDtypeStruct((N, C), jnp.float32),
    )(p2, b2.reshape(1, C))


def kernel(x, edge_index, W1, b1, W2, b2):
    ei = edge_index.astype(jnp.int32)
    z1 = jnp.zeros((ROWS_PER_TILE, H), jnp.float32)
    z2 = jnp.zeros((ROWS_PER_TILE, C), jnp.float32)

    t1 = _tc_in(x, W1)
    p1 = _make_edge_agg(H)(ei, t1, z1)
    t2 = _tc_mid(p1, W2, b1)
    p2 = _make_edge_agg(C)(ei, t2, z2)
    return _tc_out(p2, b2)

# --- scband reference (transcript-rebuilt; emitter-appended) ---
"""Pipeline reference for scband-net-24240795418941 (READ-ONLY COPY).

The authoritative reference and input builder live on the scoring server;
editing this copy changes nothing except your own understanding.
"""

import jax, jax.numpy as jnp
import numpy as np

N = 10000
E = 320000
F = 128
H = 16
C = 40


def setup_inputs(seed: int = 0) -> dict:
    key = jax.random.key(seed)
    k_x, k_e, k_w1, k_b1, k_w2, k_b2 = jax.random.split(key, 6)
    x = jax.random.normal(k_x, (N, F), dtype=jnp.float32)
    edge_index = jax.random.randint(k_e, (2, E), 0, N, dtype=jnp.int64)
    W1 = jax.random.normal(k_w1, (F, H), dtype=jnp.float32) * (1.0 / np.sqrt(F))
    b1 = jnp.zeros((H,), dtype=jnp.float32)
    W2 = jax.random.normal(k_w2, (H, C), dtype=jnp.float32) * (1.0 / np.sqrt(H))
    b2 = jnp.zeros((C,), dtype=jnp.float32)
    return {"x": x, "edge_index": edge_index, "W1": W1, "b1": b1, "W2": W2, "b2": b2}


def _basic_gnn(x, edge_index, W, b):
    # BasicGNN assumed as: linear transform on source features, then
    # sum-aggregation of messages onto destination nodes (standard MP layer).
    src = edge_index[0]
    dst = edge_index[1]
    msgs = jnp.take(x, src, axis=0) @ W  # gather + matmul
    out = jax.ops.segment_sum(msgs, dst, num_segments=N)  # scatter-add
    return out + b


def reference(x, edge_index, W1, b1, W2, b2):
    # Dropout layers are identity in eval/inference mode.
    h = _basic_gnn(x, edge_index, W1, b1)
    h = jax.nn.relu(h)
    h = _basic_gnn(h, edge_index, W2, b2)
    return jax.nn.softmax(h, axis=1)

if __name__ == "__main__":
    import jax
    _d = setup_inputs()
    print(jax.jit(kernel)(*tuple(_d.values())))

</pallas_src>

<mosaic_0001>
#map = affine_map<(d0, d1) -> (0, 0)>
#map1 = affine_map<(d0, d1) -> (0, 0, 0)>
module attributes {stable_mosaic.version = 14 : i64} {
  func.func @edge_agg(%arg0: i32, %arg1: i32, %arg2: memref<2x320000xi32, #tpu.memory_space<hbm>>, %arg3: memref<10240x40xf32, #tpu.memory_space<hbm>>, %arg4: memref<640x40xf32, #tpu.memory_space<hbm>>, %arg5: memref<2x10240x40xf32, #tpu.memory_space<hbm>>, %arg6: memref<10000xi32, #tpu.memory_space<vmem>>, %arg7: memref<10000xi32, #tpu.memory_space<vmem>>, %arg8: memref<128x40xf32, #tpu.memory_space<vmem>>, %arg9: memref<128x40xf32, #tpu.memory_space<vmem>>, %arg10: memref<128x40xf32, #tpu.memory_space<vmem>>, %arg11: memref<128x40xf32, #tpu.memory_space<vmem>>, %arg12: memref<128x40xf32, #tpu.memory_space<vmem>>, %arg13: memref<128x40xf32, #tpu.memory_space<vmem>>, %arg14: memref<!tpu.dma_semaphore, #tpu.memory_space<semaphore_mem>>, %arg15: memref<!tpu.dma_semaphore, #tpu.memory_space<semaphore_mem>>, %arg16: memref<!tpu.dma_semaphore, #tpu.memory_space<semaphore_mem>>, %arg17: memref<!tpu.dma_semaphore, #tpu.memory_space<semaphore_mem>>, %arg18: memref<!tpu.dma_semaphore, #tpu.memory_space<semaphore_mem>>, %arg19: memref<!tpu.dma_semaphore, #tpu.memory_space<semaphore_mem>>, %arg20: memref<10240x40xf32, #tpu.memory_space<vmem_shared>>, %arg21: memref<10000x40xf32, #tpu.memory_space<vmem_shared>>) attributes {dimension_semantics = [#tpu.dimension_semantics<core_parallel>, #tpu.dimension_semantics<subcore_parallel>], iteration_bounds = array<i64: 2, 16>, scalar_prefetch = 0 : i64, scratch_operands = 16 : i64, tpu.core_type = #tpu.core_type<sc_vector_subcore>, window_params = [{transform_indices = #map}, {transform_indices = #map}, {transform_indices = #map}, {transform_indices = #map1}]} {
    %mul3A = arith.constant 16 : i32
    %mul3A_0 = arith.muli %arg0, %mul3A : i32
    %add3A = arith.addi %mul3A_0, %arg1 : i32
    %mul3A_1 = arith.constant 640 : i32
    %mul3A_2 = arith.muli %arg1, %mul3A_1 : i32
    "tpu.region"() ({
      %run_scoped3A_66 = tpu.sem_alloc : memref<!tpu.dma_semaphore, #tpu.memory_space<semaphore_mem>>
      %dma_start3A_67 = arith.constant 0 : i32
      %dma_start3A_68 = tpu.memref_slice %arg20[%mul3A_2, %dma_start3A_67] : memref<10240x40xf32, #tpu.memory_space<vmem_shared>> -> memref<640x40xf32, #tpu.memory_space<vmem_shared>>
      tpu.enqueue_dma source(%arg4 : memref<640x40xf32, #tpu.memory_space<hbm>>) target(%dma_start3A_68 : memref<640x40xf32, #tpu.memory_space<vmem_shared>>) target_semaphore(%run_scoped3A_66 : memref<!tpu.dma_semaphore, #tpu.memory_space<semaphore_mem>>)
      %dma_wait3A_69 = arith.constant 0 : i32
      %dma_wait3A_70 = tpu.memref_slice %arg20[%mul3A_2, %dma_wait3A_69] : memref<10240x40xf32, #tpu.memory_space<vmem_shared>> -> memref<640x40xf32, #tpu.memory_space<vmem_shared>>
      tpu.wait_dma2 semaphore(%run_scoped3A_66 : memref<!tpu.dma_semaphore, #tpu.memory_space<semaphore_mem>>) src(%arg4 : memref<640x40xf32, #tpu.memory_space<hbm>>) dst(%dma_wait3A_70 : memref<640x40xf32, #tpu.memory_space<vmem_shared>>)
      tpu.yield
    }) : () -> ()
    %mul3A_3 = arith.constant 625 : i32
    %mul3A_4 = arith.muli %arg1, %mul3A_3 : i32
    %mul3A_5 = arith.constant 625 : i32
    %mul3A_6 = arith.muli %arg1, %mul3A_5 : i32
    "tpu.region"() ({
      %run_scoped3A_66 = tpu.sem_alloc : memref<!tpu.dma_semaphore, #tpu.memory_space<semaphore_mem>>
      %dma_start3A_67 = arith.constant 0 : i32
      %dma_start3A_68 = tpu.memref_slice %arg21[%mul3A_6, %dma_start3A_67] : memref<10000x40xf32, #tpu.memory_space<vmem_shared>> -> memref<625x40xf32, #tpu.memory_space<vmem_shared>>
      %dma_start3A_69 = arith.constant 0 : i32
      %dma_start3A_70 = tpu.memref_slice %arg3[%mul3A_4, %dma_start3A_69] : memref<10240x40xf32, #tpu.memory_space<hbm>> -> memref<625x40xf32, #tpu.memory_space<hbm>>
      tpu.enqueue_dma source(%dma_start3A_70 : memref<625x40xf32, #tpu.memory_space<hbm>>) target(%dma_start3A_68 : memref<625x40xf32, #tpu.memory_space<vmem_shared>>) target_semaphore(%run_scoped3A_66 : memref<!tpu.dma_semaphore, #tpu.memory_space<semaphore_mem>>)
      %dma_wait3A_71 = arith.constant 0 : i32
      %dma_wait3A_72 = tpu.memref_slice %arg21[%mul3A_6, %dma_wait3A_71] : memref<10000x40xf32, #tpu.memory_space<vmem_shared>> -> memref<625x40xf32, #tpu.memory_space<vmem_shared>>
      %dma_wait3A_73 = arith.constant 0 : i32
      %dma_wait3A_74 = tpu.memref_slice %arg3[%mul3A_4, %dma_wait3A_73] : memref<10240x40xf32, #tpu.memory_space<hbm>> -> memref<625x40xf32, #tpu.memory_space<hbm>>
      tpu.wait_dma2 semaphore(%run_scoped3A_66 : memref<!tpu.dma_semaphore, #tpu.memory_space<semaphore_mem>>) src(%dma_wait3A_74 : memref<625x40xf32, #tpu.memory_space<hbm>>) dst(%dma_wait3A_72 : memref<625x40xf32, #tpu.memory_space<vmem_shared>>)
      tpu.yield
    }) : () -> ()
    %mul3A_7 = arith.constant 10000 : i32
    %mul3A_8 = arith.muli %add3A, %mul3A_7 : i32
    %run_scoped3A = arith.constant 0 : i32
    "tpu.region"() ({
      %run_scoped3A_66 = tpu.sem_alloc : memref<!tpu.dma_semaphore, #tpu.memory_space<semaphore_mem>>
      %dma_start3A_67 = tpu.memref_slice %arg2[%run_scoped3A, %mul3A_8] : memref<2x320000xi32, #tpu.memory_space<hbm>> -> memref<1x10000xi32, #tpu.memory_space<hbm>>
      %dma_start3A_68 = tpu.memref_squeeze %dma_start3A_67 : memref<1x10000xi32, #tpu.memory_space<hbm>> -> memref<10000xi32, #tpu.memory_space<hbm>>
      %dma_start3A_69 = tpu.memref_slice %arg2[%run_scoped3A, %mul3A_8] : memref<2x320000xi32, #tpu.memory_space<hbm>> -> memref<1x10000xi32, #tpu.memory_space<hbm>>
      %dma_start3A_70 = tpu.memref_squeeze %dma_start3A_69 : memref<1x10000xi32, #tpu.memory_space<hbm>> -> memref<10000xi32, #tpu.memory_space<hbm>>
      tpu.enqueue_dma source(%dma_start3A_70 : memref<10000xi32, #tpu.memory_space<hbm>>) target(%arg6 : memref<10000xi32, #tpu.memory_space<vmem>>) target_semaphore(%run_scoped3A_66 : memref<!tpu.dma_semaphore, #tpu.memory_space<semaphore_mem>>)
      %dma_wait3A_71 = tpu.memref_slice %arg2[%run_scoped3A, %mul3A_8] : memref<2x320000xi32, #tpu.memory_space<hbm>> -> memref<1x10000xi32, #tpu.memory_space<hbm>>
      %dma_wait3A_72 = tpu.memref_squeeze %dma_wait3A_71 : memref<1x10000xi32, #tpu.memory_space<hbm>> -> memref<10000xi32, #tpu.memory_space<hbm>>
      %dma_wait3A_73 = tpu.memref_slice %arg2[%run_scoped3A, %mul3A_8] : memref<2x320000xi32, #tpu.memory_space<hbm>> -> memref<1x10000xi32, #tpu.memory_space<hbm>>
      %dma_wait3A_74 = tpu.memref_squeeze %dma_wait3A_73 : memref<1x10000xi32, #tpu.memory_space<hbm>> -> memref<10000xi32, #tpu.memory_space<hbm>>
      tpu.wait_dma2 semaphore(%run_scoped3A_66 : memref<!tpu.dma_semaphore, #tpu.memory_space<semaphore_mem>>) src(%dma_wait3A_74 : memref<10000xi32, #tpu.memory_space<hbm>>) dst(%arg6 : memref<10000xi32, #tpu.memory_space<vmem>>)
      tpu.yield
    }) : () -> ()
    %mul3A_9 = arith.constant 10000 : i32
    %mul3A_10 = arith.muli %add3A, %mul3A_9 : i32
    %run_scoped3A_11 = arith.constant 1 : i32
    "tpu.region"() ({
      %run_scoped3A_66 = tpu.sem_alloc : memref<!tpu.dma_semaphore, #tpu.memory_space<semaphore_mem>>
      %dma_start3A_67 = tpu.memref_slice %arg2[%run_scoped3A_11, %mul3A_10] : memref<2x320000xi32, #tpu.memory_space<hbm>> -> memref<1x10000xi32, #tpu.memory_space<hbm>>
      %dma_start3A_68 = tpu.memref_squeeze %dma_start3A_67 : memref<1x10000xi32, #tpu.memory_space<hbm>> -> memref<10000xi32, #tpu.memory_space<hbm>>
      %dma_start3A_69 = tpu.memref_slice %arg2[%run_scoped3A_11, %mul3A_10] : memref<2x320000xi32, #tpu.memory_space<hbm>> -> memref<1x10000xi32, #tpu.memory_space<hbm>>
      %dma_start3A_70 = tpu.memref_squeeze %dma_start3A_69 : memref<1x10000xi32, #tpu.memory_space<hbm>> -> memref<10000xi32, #tpu.memory_space<hbm>>
      tpu.enqueue_dma source(%dma_start3A_70 : memref<10000xi32, #tpu.memory_space<hbm>>) target(%arg7 : memref<10000xi32, #tpu.memory_space<vmem>>) target_semaphore(%run_scoped3A_66 : memref<!tpu.dma_semaphore, #tpu.memory_space<semaphore_mem>>)
      %dma_wait3A_71 = tpu.memref_slice %arg2[%run_scoped3A_11, %mul3A_10] : memref<2x320000xi32, #tpu.memory_space<hbm>> -> memref<1x10000xi32, #tpu.memory_space<hbm>>
      %dma_wait3A_72 = tpu.memref_squeeze %dma_wait3A_71 : memref<1x10000xi32, #tpu.memory_space<hbm>> -> memref<10000xi32, #tpu.memory_space<hbm>>
      %dma_wait3A_73 = tpu.memref_slice %arg2[%run_scoped3A_11, %mul3A_10] : memref<2x320000xi32, #tpu.memory_space<hbm>> -> memref<1x10000xi32, #tpu.memory_space<hbm>>
      %dma_wait3A_74 = tpu.memref_squeeze %dma_wait3A_73 : memref<1x10000xi32, #tpu.memory_space<hbm>> -> memref<10000xi32, #tpu.memory_space<hbm>>
      tpu.wait_dma2 semaphore(%run_scoped3A_66 : memref<!tpu.dma_semaphore, #tpu.memory_space<semaphore_mem>>) src(%dma_wait3A_74 : memref<10000xi32, #tpu.memory_space<hbm>>) dst(%arg7 : memref<10000xi32, #tpu.memory_space<vmem>>)
      tpu.yield
    }) : () -> ()
    %barrier3A = arith.constant 0 : index
    tpu.barrier barrier_id(%barrier3A)
    %dma_start3A = arith.constant 0 : i32
    %dma_start3A_12 = tpu.memref_slice %arg6[%dma_start3A] : memref<10000xi32, #tpu.memory_space<vmem>> -> memref<128xi32, #tpu.memory_space<vmem>>
    %dma_start3A_13 = arith.constant 0 : i32
    %dma_start3A_14 = arith.constant 0 : i32
    %dma_start3A_15 = tpu.memref_slice %arg21[%dma_start3A_13, %dma_start3A_14] : memref<10000x40xf32, #tpu.memory_space<vmem_shared>> -> memref<10000x40xf32, #tpu.memory_space<vmem_shared>>
    tpu.enqueue_indirect_dma source(%dma_start3A_15 : memref<10000x40xf32, #tpu.memory_space<vmem_shared>>) target(%arg8 : memref<128x40xf32, #tpu.memory_space<vmem>>) offsets(%dma_start3A_12 : memref<128xi32, #tpu.memory_space<vmem>>) semaphore(%arg14 : memref<!tpu.dma_semaphore, #tpu.memory_space<semaphore_mem>>)
    %dma_start3A_16 = arith.constant 128 : i32
    %dma_start3A_17 = tpu.memref_slice %arg6[%dma_start3A_16] : memref<10000xi32, #tpu.memory_space<vmem>> -> memref<128xi32, #tpu.memory_space<vmem>>
    %dma_start3A_18 = arith.constant 0 : i32
    %dma_start3A_19 = arith.constant 0 : i32
    %dma_start3A_20 = tpu.memref_slice %arg21[%dma_start3A_18, %dma_start3A_19] : memref<10000x40xf32, #tpu.memory_space<vmem_shared>> -> memref<10000x40xf32, #tpu.memory_space<vmem_shared>>
    tpu.enqueue_indirect_dma source(%dma_start3A_20 : memref<10000x40xf32, #tpu.memory_space<vmem_shared>>) target(%arg9 : memref<128x40xf32, #tpu.memory_space<vmem>>) offsets(%dma_start3A_17 : memref<128xi32, #tpu.memory_space<vmem>>) semaphore(%arg15 : memref<!tpu.dma_semaphore, #tpu.memory_space<semaphore_mem>>)
    %dma_start3A_21 = arith.constant 256 : i32
    %dma_start3A_22 = tpu.memref_slice %arg6[%dma_start3A_21] : memref<10000xi32, #tpu.memory_space<vmem>> -> memref<128xi32, #tpu.memory_space<vmem>>
    %dma_start3A_23 = arith.constant 0 : i32
    %dma_start3A_24 = arith.constant 0 : i32
    %dma_start3A_25 = tpu.memref_slice %arg21[%dma_start3A_23, %dma_start3A_24] : memref<10000x40xf32, #tpu.memory_space<vmem_shared>> -> memref<10000x40xf32, #tpu.memory_space<vmem_shared>>
    tpu.enqueue_indirect_dma source(%dma_start3A_25 : memref<10000x40xf32, #tpu.memory_space<vmem_shared>>) target(%arg10 : memref<128x40xf32, #tpu.memory_space<vmem>>) offsets(%dma_start3A_22 : memref<128xi32, #tpu.memory_space<vmem>>) semaphore(%arg16 : memref<!tpu.dma_semaphore, #tpu.memory_space<semaphore_mem>>)
    %dma_start3A_26 = arith.constant 384 : i32
    %dma_start3A_27 = tpu.memref_slice %arg6[%dma_start3A_26] : memref<10000xi32, #tpu.memory_space<vmem>> -> memref<128xi32, #tpu.memory_space<vmem>>
    %dma_start3A_28 = arith.constant 0 : i32
    %dma_start3A_29 = arith.constant 0 : i32
    %dma_start3A_30 = tpu.memref_slice %arg21[%dma_start3A_28, %dma_start3A_29] : memref<10000x40xf32, #tpu.memory_space<vmem_shared>> -> memref<10000x40xf32, #tpu.memory_space<vmem_shared>>
    tpu.enqueue_indirect_dma source(%dma_start3A_30 : memref<10000x40xf32, #tpu.memory_space<vmem_shared>>) target(%arg11 : memref<128x40xf32, #tpu.memory_space<vmem>>) offsets(%dma_start3A_27 : memref<128xi32, #tpu.memory_space<vmem>>) semaphore(%arg17 : memref<!tpu.dma_semaphore, #tpu.memory_space<semaphore_mem>>)
    %dma_start3A_31 = arith.constant 512 : i32
    %dma_start3A_32 = tpu.memref_slice %arg6[%dma_start3A_31] : memref<10000xi32, #tpu.memory_space<vmem>> -> memref<128xi32, #tpu.memory_space<vmem>>
    %dma_start3A_33 = arith.constant 0 : i32
    %dma_start3A_34 = arith.constant 0 : i32
    %dma_start3A_35 = tpu.memref_slice %arg21[%dma_start3A_33, %dma_start3A_34] : memref<10000x40xf32, #tpu.memory_space<vmem_shared>> -> memref<10000x40xf32, #tpu.memory_space<vmem_shared>>
    tpu.enqueue_indirect_dma source(%dma_start3A_35 : memref<10000x40xf32, #tpu.memory_space<vmem_shared>>) target(%arg12 : memref<128x40xf32, #tpu.memory_space<vmem>>) offsets(%dma_start3A_32 : memref<128xi32, #tpu.memory_space<vmem>>) semaphore(%arg18 : memref<!tpu.dma_semaphore, #tpu.memory_space<semaphore_mem>>)
    %dma_start3A_36 = arith.constant 640 : i32
    %dma_start3A_37 = tpu.memref_slice %arg6[%dma_start3A_36] : memref<10000xi32, #tpu.memory_space<vmem>> -> memref<128xi32, #tpu.memory_space<vmem>>
    %dma_start3A_38 = arith.constant 0 : i32
    %dma_start3A_39 = arith.constant 0 : i32
    %dma_start3A_40 = tpu.memref_slice %arg21[%dma_start3A_38, %dma_start3A_39] : memref<10000x40xf32, #tpu.memory_space<vmem_shared>> -> memref<10000x40xf32, #tpu.memory_space<vmem_shared>>
    tpu.enqueue_indirect_dma source(%dma_start3A_40 : memref<10000x40xf32, #tpu.memory_space<vmem_shared>>) target(%arg13 : memref<128x40xf32, #tpu.memory_space<vmem>>) offsets(%dma_start3A_37 : memref<128xi32, #tpu.memory_space<vmem>>) semaphore(%arg19 : memref<!tpu.dma_semaphore, #tpu.memory_space<semaphore_mem>>)
    %scan3A = arith.constant 0 : i32
    %scan3A_41 = arith.constant 0 : i32
    %scan3A_42 = arith.constant 13 : i32
    %scan3A_43 = arith.addi %scan3A_41, %scan3A_42 : i32
    %scan3A_44 = arith.constant 1 : i32
    scf.for %scan3A_66 = %scan3A_41 to %scan3A_43 step %scan3A_44  : i32 {
      %mul3A_67 = arith.constant 6 : i32
      %mul3A_68 = arith.muli %mul3A_67, %scan3A_66 : i32
      %add3A_69 = arith.constant 0 : i32
      %add3A_70 = arith.addi %mul3A_68, %add3A_69 : i32
      %mul3A_71 = arith.constant 128 : i32
      %mul3A_72 = arith.muli %add3A_70, %mul3A_71 : i32
      %dma_wait3A_73 = tpu.memref_slice %arg6[%mul3A_72] : memref<10000xi32, #tpu.memory_space<vmem>> -> memref<128xi32, #tpu.memory_space<vmem>>
      %dma_wait3A_74 = arith.constant 0 : i32
      %dma_wait3A_75 = arith.constant 0 : i32
      %dma_wait3A_76 = tpu.memref_slice %arg21[%dma_wait3A_74, %dma_wait3A_75] : memref<10000x40xf32, #tpu.memory_space<vmem_shared>> -> memref<10000x40xf32, #tpu.memory_space<vmem_shared>>
      tpu.wait_indirect_dma semaphore(%arg14 : memref<!tpu.dma_semaphore, #tpu.memory_space<semaphore_mem>>) src(%dma_wait3A_76 : memref<10000x40xf32, #tpu.memory_space<vmem_shared>>) dst(%arg8 : memref<128x40xf32, #tpu.memory_space<vmem>>)
      %mul3A_77 = arith.constant 128 : i32
      %mul3A_78 = arith.muli %add3A_70, %mul3A_77 : i32
      "tpu.region"() ({
        %run_scoped3A_178 = tpu.sem_alloc : memref<!tpu.dma_semaphore, #tpu.memory_space<semaphore_mem>>
        %dma_start3A_179 = tpu.memref_slice %arg7[%mul3A_78] : memref<10000xi32, #tpu.memory_space<vmem>> -> memref<128xi32, #tpu.memory_space<vmem>>
        %dma_start3A_180 = arith.constant 0 : i32
        %dma_start3A_181 = arith.constant 0 : i32
        %dma_start3A_182 = tpu.memref_slice %arg20[%dma_start3A_180, %dma_start3A_181] : memref<10240x40xf32, #tpu.memory_space<vmem_shared>> -> memref<10240x40xf32, #tpu.memory_space<vmem_shared>>
        tpu.enqueue_indirect_dma source(%arg8 : memref<128x40xf32, #tpu.memory_space<vmem>>) target(%dma_start3A_182 : memref<10240x40xf32, #tpu.memory_space<vmem_shared>>) offsets(%dma_start3A_179 : memref<128xi32, #tpu.memory_space<vmem>>) semaphore(%run_scoped3A_178 : memref<!tpu.dma_semaphore, #tpu.memory_space<semaphore_mem>>) {add = true}
        %dma_wait3A_183 = tpu.memref_slice %arg7[%mul3A_78] : memref<10000xi32, #tpu.memory_space<vmem>> -> memref<128xi32, #tpu.memory_space<vmem>>
        %dma_wait3A_184 = arith.constant 0 : i32
        %dma_wait3A_185 = arith.constant 0 : i32
        %dma_wait3A_186 = tpu.memref_slice %arg20[%dma_wait3A_184, %dma_wait3A_185] : memref<10240x40xf32, #tpu.memory_space<vmem_shared>> -> memref<10240x40xf32, #tpu.memory_space<vmem_shared>>
        tpu.wait_indirect_dma semaphore(%run_scoped3A_178 : memref<!tpu.dma_semaphore, #tpu.memory_space<semaphore_mem>>) src(%arg8 : memref<128x40xf32, #tpu.memory_space<vmem>>) dst(%dma_wait3A_186 : memref<10240x40xf32, #tpu.memory_space<vmem_shared>>)
        tpu.yield
      }) : () -> ()
      %add3A_79 = arith.constant 6 : i32
      %add3A_80 = arith.addi %add3A_70, %add3A_79 : i32
      %lt3A = arith.constant 78 : i32
      %lt3A_81 = arith.cmpi slt, %add3A_80, %lt3A : i32
      %convert_element_type3A = arith.extui %lt3A_81 : i1 to i32
      %cond3A = arith.constant 0 : i32
      %cond3A_82 = arith.cmpi ne, %convert_element_type3A, %cond3A : i32
      scf.if %cond3A_82 {
        %add3A_178 = arith.constant 6 : i32
        %add3A_179 = arith.addi %add3A_70, %add3A_178 : i32
        %mul3A_180 = arith.constant 128 : i32
        %mul3A_181 = arith.muli %add3A_179, %mul3A_180 : i32
        %dma_start3A_182 = tpu.memref_slice %arg6[%mul3A_181] : memref<10000xi32, #tpu.memory_space<vmem>> -> memref<128xi32, #tpu.memory_space<vmem>>
        %dma_start3A_183 = arith.constant 0 : i32
        %dma_start3A_184 = arith.constant 0 : i32
        %dma_start3A_185 = tpu.memref_slice %arg21[%dma_start3A_183, %dma_start3A_184] : memref<10000x40xf32, #tpu.memory_space<vmem_shared>> -> memref<10000x40xf32, #tpu.memory_space<vmem_shared>>
        tpu.enqueue_indirect_dma source(%dma_start3A_185 : memref<10000x40xf32, #tpu.memory_space<vmem_shared>>) target(%arg8 : memref<128x40xf32, #tpu.memory_space<vmem>>) offsets(%dma_start3A_182 : memref<128xi32, #tpu.memory_space<vmem>>) semaphore(%arg14 : memref<!tpu.dma_semaphore, #tpu.memory_space<semaphore_mem>>)
      } else {
      }
      %mul3A_83 = arith.constant 6 : i32
      %mul3A_84 = arith.muli %mul3A_83, %scan3A_66 : i32
      %add3A_85 = arith.constant 1 : i32
      %add3A_86 = arith.addi %mul3A_84, %add3A_85 : i32
      %mul3A_87 = arith.constant 128 : i32
      %mul3A_88 = arith.muli %add3A_86, %mul3A_87 : i32
      %dma_wait3A_89 = tpu.memref_slice %arg6[%mul3A_88] : memref<10000xi32, #tpu.memory_space<vmem>> -> memref<128xi32, #tpu.memory_space<vmem>>
      %dma_wait3A_90 = arith.constant 0 : i32
      %dma_wait3A_91 = arith.constant 0 : i32
      %dma_wait3A_92 = tpu.memref_slice %arg21[%dma_wait3A_90, %dma_wait3A_91] : memref<10000x40xf32, #tpu.memory_space<vmem_shared>> -> memref<10000x40xf32, #tpu.memory_space<vmem_shared>>
      tpu.wait_indirect_dma semaphore(%arg15 : memref<!tpu.dma_semaphore, #tpu.memory_space<semaphore_mem>>) src(%dma_wait3A_92 : memref<10000x40xf32, #tpu.memory_space<vmem_shared>>) dst(%arg9 : memref<128x40xf32, #tpu.memory_space<vmem>>)
      %mul3A_93 = arith.constant 128 : i32
      %mul3A_94 = arith.muli %add3A_86, %mul3A_93 : i32
      "tpu.region"() ({
        %run_scoped3A_178 = tpu.sem_alloc : memref<!tpu.dma_semaphore, #tpu.memory_space<semaphore_mem>>
        %dma_start3A_179 = tpu.memref_slice %arg7[%mul3A_94] : memref<10000xi32, #tpu.memory_space<vmem>> -> memref<128xi32, #tpu.memory_space<vmem>>
        %dma_start3A_180 = arith.constant 0 : i32
        %dma_start3A_181 = arith.constant 0 : i32
        %dma_start3A_182 = tpu.memref_slice %arg20[%dma_start3A_180, %dma_start3A_181] : memref<10240x40xf32, #tpu.memory_space<vmem_shared>> -> memref<10240x40xf32, #tpu.memory_space<vmem_shared>>
        tpu.enqueue_indirect_dma source(%arg9 : memref<128x40xf32, #tpu.memory_space<vmem>>) target(%dma_start3A_182 : memref<10240x40xf32, #tpu.memory_space<vmem_shared>>) offsets(%dma_start3A_179 : memref<128xi32, #tpu.memory_space<vmem>>) semaphore(%run_scoped3A_178 : memref<!tpu.dma_semaphore, #tpu.memory_space<semaphore_mem>>) {add = true}
        %dma_wait3A_183 = tpu.memref_slice %arg7[%mul3A_94] : memref<10000xi32, #tpu.memory_space<vmem>> -> memref<128xi32, #tpu.memory_space<vmem>>
        %dma_wait3A_184 = arith.constant 0 : i32
        %dma_wait3A_185 = arith.constant 0 : i32
        %dma_wait3A_186 = tpu.memref_slice %arg20[%dma_wait3A_184, %dma_wait3A_185] : memref<10240x40xf32, #tpu.memory_space<vmem_shared>> -> memref<10240x40xf32, #tpu.memory_space<vmem_shared>>
        tpu.wait_indirect_dma semaphore(%run_scoped3A_178 : memref<!tpu.dma_semaphore, #tpu.memory_space<semaphore_mem>>) src(%arg9 : memref<128x40xf32, #tpu.memory_space<vmem>>) dst(%dma_wait3A_186 : memref<10240x40xf32, #tpu.memory_space<vmem_shared>>)
        tpu.yield
      }) : () -> ()
      %add3A_95 = arith.constant 6 : i32
      %add3A_96 = arith.addi %add3A_86, %add3A_95 : i32
      %lt3A_97 = arith.constant 78 : i32
      %lt3A_98 = arith.cmpi slt, %add3A_96, %lt3A_97 : i32
      %convert_element_type3A_99 = arith.extui %lt3A_98 : i1 to i32
      %cond3A_100 = arith.constant 0 : i32
      %cond3A_101 = arith.cmpi ne, %convert_element_type3A_99, %cond3A_100 : i32
      scf.if %cond3A_101 {
        %add3A_178 = arith.constant 6 : i32
        %add3A_179 = arith.addi %add3A_86, %add3A_178 : i32
        %mul3A_180 = arith.constant 128 : i32
        %mul3A_181 = arith.muli %add3A_179, %mul3A_180 : i32
        %dma_start3A_182 = tpu.memref_slice %arg6[%mul3A_181] : memref<10000xi32, #tpu.memory_space<vmem>> -> memref<128xi32, #tpu.memory_space<vmem>>
        %dma_start3A_183 = arith.constant 0 : i32
        %dma_start3A_184 = arith.constant 0 : i32
        %dma_start3A_185 = tpu.memref_slice %arg21[%dma_start3A_183, %dma_start3A_184] : memref<10000x40xf32, #tpu.memory_space<vmem_shared>> -> memref<10000x40xf32, #tpu.memory_space<vmem_shared>>
        tpu.enqueue_indirect_dma source(%dma_start3A_185 : memref<10000x40xf32, #tpu.memory_space<vmem_shared>>) target(%arg9 : memref<128x40xf32, #tpu.memory_space<vmem>>) offsets(%dma_start3A_182 : memref<128xi32, #tpu.memory_space<vmem>>) semaphore(%arg15 : memref<!tpu.dma_semaphore, #tpu.memory_space<semaphore_mem>>)
      } else {
      }
      %mul3A_102 = arith.constant 6 : i32
      %mul3A_103 = arith.muli %mul3A_102, %scan3A_66 : i32
      %add3A_104 = arith.constant 2 : i32
      %add3A_105 = arith.addi %mul3A_103, %add3A_104 : i32
      %mul3A_106 = arith.constant 128 : i32
      %mul3A_107 = arith.muli %add3A_105, %mul3A_106 : i32
      %dma_wait3A_108 = tpu.memref_slice %arg6[%mul3A_107] : memref<10000xi32, #tpu.memory_space<vmem>> -> memref<128xi32, #tpu.memory_space<vmem>>
      %dma_wait3A_109 = arith.constant 0 : i32
      %dma_wait3A_110 = arith.constant 0 : i32
      %dma_wait3A_111 = tpu.memref_slice %arg21[%dma_wait3A_109, %dma_wait3A_110] : memref<10000x40xf32, #tpu.memory_space<vmem_shared>> -> memref<10000x40xf32, #tpu.memory_space<vmem_shared>>
      tpu.wait_indirect_dma semaphore(%arg16 : memref<!tpu.dma_semaphore, #tpu.memory_space<semaphore_mem>>) src(%dma_wait3A_111 : memref<10000x40xf32, #tpu.memory_space<vmem_shared>>) dst(%arg10 : memref<128x40xf32, #tpu.memory_space<vmem>>)
      %mul3A_112 = arith.constant 128 : i32
      %mul3A_113 = arith.muli %add3A_105, %mul3A_112 : i32
      "tpu.region"() ({
        %run_scoped3A_178 = tpu.sem_alloc : memref<!tpu.dma_semaphore, #tpu.memory_space<semaphore_mem>>
        %dma_start3A_179 = tpu.memref_slice %arg7[%mul3A_113] : memref<10000xi32, #tpu.memory_space<vmem>> -> memref<128xi32, #tpu.memory_space<vmem>>
        %dma_start3A_180 = arith.constant 0 : i32
        %dma_start3A_181 = arith.constant 0 : i32
        %dma_start3A_182 = tpu.memref_slice %arg20[%dma_start3A_180, %dma_start3A_181] : memref<10240x40xf32, #tpu.memory_space<vmem_shared>> -> memref<10240x40xf32, #tpu.memory_space<vmem_shared>>
        tpu.enqueue_indirect_dma source(%arg10 : memref<128x40xf32, #tpu.memory_space<vmem>>) target(%dma_start3A_182 : memref<10240x40xf32, #tpu.memory_space<vmem_shared>>) offsets(%dma_start3A_179 : memref<128xi32, #tpu.memory_space<vmem>>) semaphore(%run_scoped3A_178 : memref<!tpu.dma_semaphore, #tpu.memory_space<semaphore_mem>>) {add = true}
        %dma_wait3A_183 = tpu.memref_slice %arg7[%mul3A_113] : memref<10000xi32, #tpu.memory_space<vmem>> -> memref<128xi32, #tpu.memory_space<vmem>>
        %dma_wait3A_184 = arith.constant 0 : i32
        %dma_wait3A_185 = arith.constant 0 : i32
        %dma_wait3A_186 = tpu.memref_slice %arg20[%dma_wait3A_184, %dma_wait3A_185] : memref<10240x40xf32, #tpu.memory_space<vmem_shared>> -> memref<10240x40xf32, #tpu.memory_space<vmem_shared>>
        tpu.wait_indirect_dma semaphore(%run_scoped3A_178 : memref<!tpu.dma_semaphore, #tpu.memory_space<semaphore_mem>>) src(%arg10 : memref<128x40xf32, #tpu.memory_space<vmem>>) dst(%dma_wait3A_186 : memref<10240x40xf32, #tpu.memory_space<vmem_shared>>)
        tpu.yield
      }) : () -> ()
      %add3A_114 = arith.constant 6 : i32
      %add3A_115 = arith.addi %add3A_105, %add3A_114 : i32
      %lt3A_116 = arith.constant 78 : i32
      %lt3A_117 = arith.cmpi slt, %add3A_115, %lt3A_116 : i32
      %convert_element_type3A_118 = arith.extui %lt3A_117 : i1 to i32
      %cond3A_119 = arith.constant 0 : i32
      %cond3A_120 = arith.cmpi ne, %convert_element_type3A_118, %cond3A_119 : i32
      scf.if %cond3A_120 {
        %add3A_178 = arith.constant 6 : i32
        %add3A_179 = arith.addi %add3A_105, %add3A_178 : i32
        %mul3A_180 = arith.constant 128 : i32
        %mul3A_181 = arith.muli %add3A_179, %mul3A_180 : i32
        %dma_start3A_182 = tpu.memref_slice %arg6[%mul3A_181] : memref<10000xi32, #tpu.memory_space<vmem>> -> memref<128xi32, #tpu.memory_space<vmem>>
        %dma_start3A_183 = arith.constant 0 : i32
        %dma_start3A_184 = arith.constant 0 : i32
        %dma_start3A_185 = tpu.memref_slice %arg21[%dma_start3A_183, %dma_start3A_184] : memref<10000x40xf32, #tpu.memory_space<vmem_shared>> -> memref<10000x40xf32, #tpu.memory_space<vmem_shared>>
        tpu.enqueue_indirect_dma source(%dma_start3A_185 : memref<10000x40xf32, #tpu.memory_space<vmem_shared>>) target(%arg10 : memref<128x40xf32, #tpu.memory_space<vmem>>) offsets(%dma_start3A_182 : memref<128xi32, #tpu.memory_space<vmem>>) semaphore(%arg16 : memref<!tpu.dma_semaphore, #tpu.memory_space<semaphore_mem>>)
      } else {
      }
      %mul3A_121 = arith.constant 6 : i32
      %mul3A_122 = arith.muli %mul3A_121, %scan3A_66 : i32
      %add3A_123 = arith.constant 3 : i32
      %add3A_124 = arith.addi %mul3A_122, %add3A_123 : i32
      %mul3A_125 = arith.constant 128 : i32
      %mul3A_126 = arith.muli %add3A_124, %mul3A_125 : i32
      %dma_wait3A_127 = tpu.memref_slice %arg6[%mul3A_126] : memref<10000xi32, #tpu.memory_space<vmem>> -> memref<128xi32, #tpu.memory_space<vmem>>
      %dma_wait3A_128 = arith.constant 0 : i32
      %dma_wait3A_129 = arith.constant 0 : i32
      %dma_wait3A_130 = tpu.memref_slice %arg21[%dma_wait3A_128, %dma_wait3A_129] : memref<10000x40xf32, #tpu.memory_space<vmem_shared>> -> memref<10000x40xf32, #tpu.memory_space<vmem_shared>>
      tpu.wait_indirect_dma semaphore(%arg17 : memref<!tpu.dma_semaphore, #tpu.memory_space<semaphore_mem>>) src(%dma_wait3A_130 : memref<10000x40xf32, #tpu.memory_space<vmem_shared>>) dst(%arg11 : memref<128x40xf32, #tpu.memory_space<vmem>>)
      %mul3A_131 = arith.constant 128 : i32
      %mul3A_132 = arith.muli %add3A_124, %mul3A_131 : i32
      "tpu.region"() ({
        %run_scoped3A_178 = tpu.sem_alloc : memref<!tpu.dma_semaphore, #tpu.memory_space<semaphore_mem>>
        %dma_start3A_179 = tpu.memref_slice %arg7[%mul3A_132] : memref<10000xi32, #tpu.memory_space<vmem>> -> memref<128xi32, #tpu.memory_space<vmem>>
        %dma_start3A_180 = arith.constant 0 : i32
        %dma_start3A_181 = arith.constant 0 : i32
        %dma_start3A_182 = tpu.memref_slice %arg20[%dma_start3A_180, %dma_start3A_181] : memref<10240x40xf32, #tpu.memory_space<vmem_shared>> -> memref<10240x40xf32, #tpu.memory_space<vmem_shared>>
        tpu.enqueue_indirect_dma source(%arg11 : memref<128x40xf32, #tpu.memory_space<vmem>>) target(%dma_start3A_182 : memref<10240x40xf32, #tpu.memory_space<vmem_shared>>) offsets(%dma_start3A_179 : memref<128xi32, #tpu.memory_space<vmem>>) semaphore(%run_scoped3A_178 : memref<!tpu.dma_semaphore, #tpu.memory_space<semaphore_mem>>) {add = true}
        %dma_wait3A_183 = tpu.memref_slice %arg7[%mul3A_132] : memref<10000xi32, #tpu.memory_space<vmem>> -> memref<128xi32, #tpu.memory_space<vmem>>
        %dma_wait3A_184 = arith.constant 0 : i32
        %dma_wait3A_185 = arith.constant 0 : i32
        %dma_wait3A_186 = tpu.memref_slice %arg20[%dma_wait3A_184, %dma_wait3A_185] : memref<10240x40xf32, #tpu.memory_space<vmem_shared>> -> memref<10240x40xf32, #tpu.memory_space<vmem_shared>>
        tpu.wait_indirect_dma semaphore(%run_scoped3A_178 : memref<!tpu.dma_semaphore, #tpu.memory_space<semaphore_mem>>) src(%arg11 : memref<128x40xf32, #tpu.memory_space<vmem>>) dst(%dma_wait3A_186 : memref<10240x40xf32, #tpu.memory_space<vmem_shared>>)
        tpu.yield
      }) : () -> ()
      %add3A_133 = arith.constant 6 : i32
      %add3A_134 = arith.addi %add3A_124, %add3A_133 : i32
      %lt3A_135 = arith.constant 78 : i32
      %lt3A_136 = arith.cmpi slt, %add3A_134, %lt3A_135 : i32
      %convert_element_type3A_137 = arith.extui %lt3A_136 : i1 to i32
      %cond3A_138 = arith.constant 0 : i32
      %cond3A_139 = arith.cmpi ne, %convert_element_type3A_137, %cond3A_138 : i32
      scf.if %cond3A_139 {
        %add3A_178 = arith.constant 6 : i32
        %add3A_179 = arith.addi %add3A_124, %add3A_178 : i32
        %mul3A_180 = arith.constant 128 : i32
        %mul3A_181 = arith.muli %add3A_179, %mul3A_180 : i32
        %dma_start3A_182 = tpu.memref_slice %arg6[%mul3A_181] : memref<10000xi32, #tpu.memory_space<vmem>> -> memref<128xi32, #tpu.memory_space<vmem>>
        %dma_start3A_183 = arith.constant 0 : i32
        %dma_start3A_184 = arith.constant 0 : i32
        %dma_start3A_185 = tpu.memref_slice %arg21[%dma_start3A_183, %dma_start3A_184] : memref<10000x40xf32, #tpu.memory_space<vmem_shared>> -> memref<10000x40xf32, #tpu.memory_space<vmem_shared>>
        tpu.enqueue_indirect_dma source(%dma_start3A_185 : memref<10000x40xf32, #tpu.memory_space<vmem_shared>>) target(%arg11 : memref<128x40xf32, #tpu.memory_space<vmem>>) offsets(%dma_start3A_182 : memref<128xi32, #tpu.memory_space<vmem>>) semaphore(%arg17 : memref<!tpu.dma_semaphore, #tpu.memory_space<semaphore_mem>>)
      } else {
      }
      %mul3A_140 = arith.constant 6 : i32
      %mul3A_141 = arith.muli %mul3A_140, %scan3A_66 : i32
      %add3A_142 = arith.constant 4 : i32
      %add3A_143 = arith.addi %mul3A_141, %add3A_142 : i32
      %mul3A_144 = arith.constant 128 : i32
      %mul3A_145 = arith.muli %add3A_143, %mul3A_144 : i32
      %dma_wait3A_146 = tpu.memref_slice %arg6[%mul3A_145] : memref<10000xi32, #tpu.memory_space<vmem>> -> memref<128xi32, #tpu.memory_space<vmem>>
      %dma_wait3A_147 = arith.constant 0 : i32
      %dma_wait3A_148 = arith.constant 0 : i32
      %dma_wait3A_149 = tpu.memref_slice %arg21[%dma_wait3A_147, %dma_wait3A_148] : memref<10000x40xf32, #tpu.memory_space<vmem_shared>> -> memref<10000x40xf32, #tpu.memory_space<vmem_shared>>
      tpu.wait_indirect_dma semaphore(%arg18 : memref<!tpu.dma_semaphore, #tpu.memory_space<semaphore_mem>>) src(%dma_wait3A_149 : memref<10000x40xf32, #tpu.memory_space<vmem_shared>>) dst(%arg12 : memref<128x40xf32, #tpu.memory_space<vmem>>)
      %mul3A_150 = arith.constant 128 : i32
      %mul3A_151 = arith.muli %add3A_143, %mul3A_150 : i32
      "tpu.region"() ({
        %run_scoped3A_178 = tpu.sem_alloc : memref<!tpu.dma_semaphore, #tpu.memory_space<semaphore_mem>>
        %dma_start3A_179 = tpu.memref_slice %arg7[%mul3A_151] : memref<10000xi32, #tpu.memory_space<vmem>> -> memref<128xi32, #tpu.memory_space<vmem>>
        %dma_start3A_180 = arith.constant 0 : i32
        %dma_start3A_181 = arith.constant 0 : i32
        %dma_start3A_182 = tpu.memref_slice %arg20[%dma_start3A_180, %dma_start3A_181] : memref<10240x40xf32, #tpu.memory_space<vmem_shared>> -> memref<10240x40xf32, #tpu.memory_space<vmem_shared>>
        tpu.enqueue_indirect_dma source(%arg12 : memref<128x40xf32, #tpu.memory_space<vmem>>) target(%dma_start3A_182 : memref<10240x40xf32, #tpu.memory_space<vmem_shared>>) offsets(%dma_start3A_179 : memref<128xi32, #tpu.memory_space<vmem>>) semaphore(%run_scoped3A_178 : memref<!tpu.dma_semaphore, #tpu.memory_space<semaphore_mem>>) {add = true}
        %dma_wait3A_183 = tpu.memref_slice %arg7[%mul3A_151] : memref<10000xi32, #tpu.memory_space<vmem>> -> memref<128xi32, #tpu.memory_space<vmem>>
        %dma_wait3A_184 = arith.constant 0 : i32
        %dma_wait3A_185 = arith.constant 0 : i32
        %dma_wait3A_186 = tpu.memref_slice %arg20[%dma_wait3A_184, %dma_wait3A_185] : memref<10240x40xf32, #tpu.memory_space<vmem_shared>> -> memref<10240x40xf32, #tpu.memory_space<vmem_shared>>
        tpu.wait_indirect_dma semaphore(%run_scoped3A_178 : memref<!tpu.dma_semaphore, #tpu.memory_space<semaphore_mem>>) src(%arg12 : memref<128x40xf32, #tpu.memory_space<vmem>>) dst(%dma_wait3A_186 : memref<10240x40xf32, #tpu.memory_space<vmem_shared>>)
        tpu.yield
      }) : () -> ()
      %add3A_152 = arith.constant 6 : i32
      %add3A_153 = arith.addi %add3A_143, %add3A_152 : i32
      %lt3A_154 = arith.constant 78 : i32
      %lt3A_155 = arith.cmpi slt, %add3A_153, %lt3A_154 : i32
      %convert_element_type3A_156 = arith.extui %lt3A_155 : i1 to i32
      %cond3A_157 = arith.constant 0 : i32
      %cond3A_158 = arith.cmpi ne, %convert_element_type3A_156, %cond3A_157 : i32
      scf.if %cond3A_158 {
        %add3A_178 = arith.constant 6 : i32
        %add3A_179 = arith.addi %add3A_143, %add3A_178 : i32
        %mul3A_180 = arith.constant 128 : i32
        %mul3A_181 = arith.muli %add3A_179, %mul3A_180 : i32
        %dma_start3A_182 = tpu.memref_slice %arg6[%mul3A_181] : memref<10000xi32, #tpu.memory_space<vmem>> -> memref<128xi32, #tpu.memory_space<vmem>>
        %dma_start3A_183 = arith.constant 0 : i32
        %dma_start3A_184 = arith.constant 0 : i32
        %dma_start3A_185 = tpu.memref_slice %arg21[%dma_start3A_183, %dma_start3A_184] : memref<10000x40xf32, #tpu.memory_space<vmem_shared>> -> memref<10000x40xf32, #tpu.memory_space<vmem_shared>>
        tpu.enqueue_indirect_dma source(%dma_start3A_185 : memref<10000x40xf32, #tpu.memory_space<vmem_shared>>) target(%arg12 : memref<128x40xf32, #tpu.memory_space<vmem>>) offsets(%dma_start3A_182 : memref<128xi32, #tpu.memory_space<vmem>>) semaphore(%arg18 : memref<!tpu.dma_semaphore, #tpu.memory_space<semaphore_mem>>)
      } else {
      }
      %mul3A_159 = arith.constant 6 : i32
      %mul3A_160 = arith.muli %mul3A_159, %scan3A_66 : i32
      %add3A_161 = arith.constant 5 : i32
      %add3A_162 = arith.addi %mul3A_160, %add3A_161 : i32
      %mul3A_163 = arith.constant 128 : i32
      %mul3A_164 = arith.muli %add3A_162, %mul3A_163 : i32
      %dma_wait3A_165 = tpu.memref_slice %arg6[%mul3A_164] : memref<10000xi32, #tpu.memory_space<vmem>> -> memref<128xi32, #tpu.memory_space<vmem>>
      %dma_wait3A_166 = arith.constant 0 : i32
      %dma_wait3A_167 = arith.constant 0 : i32
      %dma_wait3A_168 = tpu.memref_slice %arg21[%dma_wait3A_166, %dma_wait3A_167] : memref<10000x40xf32, #tpu.memory_space<vmem_shared>> -> memref<10000x40xf32, #tpu.memory_space<vmem_shared>>
      tpu.wait_indirect_dma semaphore(%arg19 : memref<!tpu.dma_semaphore, #tpu.memory_space<semaphore_mem>>) src(%dma_wait3A_168 : memref<10000x40xf32, #tpu.memory_space<vmem_shared>>) dst(%arg13 : memref<128x40xf32, #tpu.memory_space<vmem>>)
      %mul3A_169 = arith.constant 128 : i32
      %mul3A_170 = arith.muli %add3A_162, %mul3A_169 : i32
      "tpu.region"() ({
        %run_scoped3A_178 = tpu.sem_alloc : memref<!tpu.dma_semaphore, #tpu.memory_space<semaphore_mem>>
        %dma_start3A_179 = tpu.memref_slice %arg7[%mul3A_170] : memref<10000xi32, #tpu.memory_space<vmem>> -> memref<128xi32, #tpu.memory_space<vmem>>
        %dma_start3A_180 = arith.constant 0 : i32
        %dma_start3A_181 = arith.constant 0 : i32
        %dma_start3A_182 = tpu.memref_slice %arg20[%dma_start3A_180, %dma_start3A_181] : memref<10240x40xf32, #tpu.memory_space<vmem_shared>> -> memref<10240x40xf32, #tpu.memory_space<vmem_shared>>
        tpu.enqueue_indirect_dma source(%arg13 : memref<128x40xf32, #tpu.memory_space<vmem>>) target(%dma_start3A_182 : memref<10240x40xf32, #tpu.memory_space<vmem_shared>>) offsets(%dma_start3A_179 : memref<128xi32, #tpu.memory_space<vmem>>) semaphore(%run_scoped3A_178 : memref<!tpu.dma_semaphore, #tpu.memory_space<semaphore_mem>>) {add = true}
        %dma_wait3A_183 = tpu.memref_slice %arg7[%mul3A_170] : memref<10000xi32, #tpu.memory_space<vmem>> -> memref<128xi32, #tpu.memory_space<vmem>>
        %dma_wait3A_184 = arith.constant 0 : i32
        %dma_wait3A_185 = arith.constant 0 : i32
        %dma_wait3A_186 = tpu.memref_slice %arg20[%dma_wait3A_184, %dma_wait3A_185] : memref<10240x40xf32, #tpu.memory_space<vmem_shared>> -> memref<10240x40xf32, #tpu.memory_space<vmem_shared>>
        tpu.wait_indirect_dma semaphore(%run_scoped3A_178 : memref<!tpu.dma_semaphore, #tpu.memory_space<semaphore_mem>>) src(%arg13 : memref<128x40xf32, #tpu.memory_space<vmem>>) dst(%dma_wait3A_186 : memref<10240x40xf32, #tpu.memory_space<vmem_shared>>)
        tpu.yield
      }) : () -> ()
      %add3A_171 = arith.constant 6 : i32
      %add3A_172 = arith.addi %add3A_162, %add3A_171 : i32
      %lt3A_173 = arith.constant 78 : i32
      %lt3A_174 = arith.cmpi slt, %add3A_172, %lt3A_173 : i32
      %convert_element_type3A_175 = arith.extui %lt3A_174 : i1 to i32
      %cond3A_176 = arith.constant 0 : i32
      %cond3A_177 = arith.cmpi ne, %convert_element_type3A_175, %cond3A_176 : i32
      scf.if %cond3A_177 {
        %add3A_178 = arith.constant 6 : i32
        %add3A_179 = arith.addi %add3A_162, %add3A_178 : i32
        %mul3A_180 = arith.constant 128 : i32
        %mul3A_181 = arith.muli %add3A_179, %mul3A_180 : i32
        %dma_start3A_182 = tpu.memref_slice %arg6[%mul3A_181] : memref<10000xi32, #tpu.memory_space<vmem>> -> memref<128xi32, #tpu.memory_space<vmem>>
        %dma_start3A_183 = arith.constant 0 : i32
        %dma_start3A_184 = arith.constant 0 : i32
        %dma_start3A_185 = tpu.memref_slice %arg21[%dma_start3A_183, %dma_start3A_184] : memref<10000x40xf32, #tpu.memory_space<vmem_shared>> -> memref<10000x40xf32, #tpu.memory_space<vmem_shared>>
        tpu.enqueue_indirect_dma source(%dma_start3A_185 : memref<10000x40xf32, #tpu.memory_space<vmem_shared>>) target(%arg13 : memref<128x40xf32, #tpu.memory_space<vmem>>) offsets(%dma_start3A_182 : memref<128xi32, #tpu.memory_space<vmem>>) semaphore(%arg19 : memref<!tpu.dma_semaphore, #tpu.memory_space<semaphore_mem>>)
      } else {
      }
    }
    %scan3A_45 = arith.constant 13 : i32
    %dma_start3A_46 = arith.constant 0 : i32
    %dma_start3A_47 = arith.constant 0 : i32
    %dma_start3A_48 = tpu.memref_slice %arg8[%dma_start3A_46, %dma_start3A_47] : memref<128x40xf32, #tpu.memory_space<vmem>> -> memref<16x40xf32, #tpu.memory_space<vmem>>
    %dma_start3A_49 = arith.constant 9984 : i32
    %dma_start3A_50 = tpu.memref_slice %arg6[%dma_start3A_49] : memref<10000xi32, #tpu.memory_space<vmem>> -> memref<16xi32, #tpu.memory_space<vmem>>
    %dma_start3A_51 = arith.constant 0 : i32
    %dma_start3A_52 = arith.constant 0 : i32
    %dma_start3A_53 = tpu.memref_slice %arg21[%dma_start3A_51, %dma_start3A_52] : memref<10000x40xf32, #tpu.memory_space<vmem_shared>> -> memref<10000x40xf32, #tpu.memory_space<vmem_shared>>
    tpu.enqueue_indirect_dma source(%dma_start3A_53 : memref<10000x40xf32, #tpu.memory_space<vmem_shared>>) target(%dma_start3A_48 : memref<16x40xf32, #tpu.memory_space<vmem>>) offsets(%dma_start3A_50 : memref<16xi32, #tpu.memory_space<vmem>>) semaphore(%arg14 : memref<!tpu.dma_semaphore, #tpu.memory_space<semaphore_mem>>)
    %dma_wait3A = arith.constant 0 : i32
    %dma_wait3A_54 = arith.constant 0 : i32
    %dma_wait3A_55 = tpu.memref_slice %arg8[%dma_wait3A, %dma_wait3A_54] : memref<128x40xf32, #tpu.memory_space<vmem>> -> memref<16x40xf32, #tpu.memory_space<vmem>>
    %dma_wait3A_56 = arith.constant 9984 : i32
    %dma_wait3A_57 = tpu.memref_slice %arg6[%dma_wait3A_56] : memref<10000xi32, #tpu.memory_space<vmem>> -> memref<16xi32, #tpu.memory_space<vmem>>
    %dma_wait3A_58 = arith.constant 0 : i32
    %dma_wait3A_59 = arith.constant 0 : i32
    %dma_wait3A_60 = tpu.memref_slice %arg21[%dma_wait3A_58, %dma_wait3A_59] : memref<10000x40xf32, #tpu.memory_space<vmem_shared>> -> memref<10000x40xf32, #tpu.memory_space<vmem_shared>>
    tpu.wait_indirect_dma semaphore(%arg14 : memref<!tpu.dma_semaphore, #tpu.memory_space<semaphore_mem>>) src(%dma_wait3A_60 : memref<10000x40xf32, #tpu.memory_space<vmem_shared>>) dst(%dma_wait3A_55 : memref<16x40xf32, #tpu.memory_space<vmem>>)
    "tpu.region"() ({
      %run_scoped3A_66 = tpu.sem_alloc : memref<!tpu.dma_semaphore, #tpu.memory_space<semaphore_mem>>
      %dma_start3A_67 = arith.constant 0 : i32
      %dma_start3A_68 = arith.constant 0 : i32
      %dma_start3A_69 = tpu.memref_slice %arg8[%dma_start3A_67, %dma_start3A_68] : memref<128x40xf32, #tpu.memory_space<vmem>> -> memref<16x40xf32, #tpu.memory_space<vmem>>
      %dma_start3A_70 = arith.constant 9984 : i32
      %dma_start3A_71 = tpu.memref_slice %arg7[%dma_start3A_70] : memref<10000xi32, #tpu.memory_space<vmem>> -> memref<16xi32, #tpu.memory_space<vmem>>
      %dma_start3A_72 = arith.constant 0 : i32
      %dma_start3A_73 = arith.constant 0 : i32
      %dma_start3A_74 = tpu.memref_slice %arg20[%dma_start3A_72, %dma_start3A_73] : memref<10240x40xf32, #tpu.memory_space<vmem_shared>> -> memref<10240x40xf32, #tpu.memory_space<vmem_shared>>
      tpu.enqueue_indirect_dma source(%dma_start3A_69 : memref<16x40xf32, #tpu.memory_space<vmem>>) target(%dma_start3A_74 : memref<10240x40xf32, #tpu.memory_space<vmem_shared>>) offsets(%dma_start3A_71 : memref<16xi32, #tpu.memory_space<vmem>>) semaphore(%run_scoped3A_66 : memref<!tpu.dma_semaphore, #tpu.memory_space<semaphore_mem>>) {add = true}
      %dma_wait3A_75 = arith.constant 0 : i32
      %dma_wait3A_76 = arith.constant 0 : i32
      %dma_wait3A_77 = tpu.memref_slice %arg8[%dma_wait3A_75, %dma_wait3A_76] : memref<128x40xf32, #tpu.memory_space<vmem>> -> memref<16x40xf32, #tpu.memory_space<vmem>>
      %dma_wait3A_78 = arith.constant 9984 : i32
      %dma_wait3A_79 = tpu.memref_slice %arg7[%dma_wait3A_78] : memref<10000xi32, #tpu.memory_space<vmem>> -> memref<16xi32, #tpu.memory_space<vmem>>
      %dma_wait3A_80 = arith.constant 0 : i32
      %dma_wait3A_81 = arith.constant 0 : i32
      %dma_wait3A_82 = tpu.memref_slice %arg20[%dma_wait3A_80, %dma_wait3A_81] : memref<10240x40xf32, #tpu.memory_space<vmem_shared>> -> memref<10240x40xf32, #tpu.memory_space<vmem_shared>>
      tpu.wait_indirect_dma semaphore(%run_scoped3A_66 : memref<!tpu.dma_semaphore, #tpu.memory_space<semaphore_mem>>) src(%dma_wait3A_77 : memref<16x40xf32, #tpu.memory_space<vmem>>) dst(%dma_wait3A_82 : memref<10240x40xf32, #tpu.memory_space<vmem_shared>>)
      tpu.yield
    }) : () -> ()
    %barrier3A_61 = arith.constant 0 : index
    tpu.barrier barrier_id(%barrier3A_61)
    %mul3A_62 = arith.constant 640 : i32
    %mul3A_63 = arith.muli %arg1, %mul3A_62 : i32
    %mul3A_64 = arith.constant 640 : i32
    %mul3A_65 = arith.muli %arg1, %mul3A_64 : i32
    "tpu.region"() ({
      %run_scoped3A_66 = tpu.sem_alloc : memref<!tpu.dma_semaphore, #tpu.memory_space<semaphore_mem>>
      %dma_start3A_67 = arith.constant 0 : i32
      %dma_start3A_68 = tpu.memref_slice %arg5[%arg0, %mul3A_65, %dma_start3A_67] : memref<2x10240x40xf32, #tpu.memory_space<hbm>> -> memref<1x640x40xf32, #tpu.memory_space<hbm>>
      %dma_start3A_69 = tpu.memref_squeeze %dma_start3A_68 : memref<1x640x40xf32, #tpu.memory_space<hbm>> -> memref<640x40xf32, #tpu.memory_space<hbm>>
      %dma_start3A_70 = arith.constant 0 : i32
      %dma_start3A_71 = tpu.memref_slice %arg20[%mul3A_63, %dma_start3A_70] : memref<10240x40xf32, #tpu.memory_space<vmem_shared>> -> memref<640x40xf32, #tpu.memory_space<vmem_shared>>
      tpu.enqueue_dma source(%dma_start3A_71 : memref<640x40xf32, #tpu.memory_space<vmem_shared>>) target(%dma_start3A_69 : memref<640x40xf32, #tpu.memory_space<hbm>>) target_semaphore(%run_scoped3A_66 : memref<!tpu.dma_semaphore, #tpu.memory_space<semaphore_mem>>)
      %dma_wait3A_72 = arith.constant 0 : i32
      %dma_wait3A_73 = tpu.memref_slice %arg5[%arg0, %mul3A_65, %dma_wait3A_72] : memref<2x10240x40xf32, #tpu.memory_space<hbm>> -> memref<1x640x40xf32, #tpu.memory_space<hbm>>
      %dma_wait3A_74 = tpu.memref_squeeze %dma_wait3A_73 : memref<1x640x40xf32, #tpu.memory_space<hbm>> -> memref<640x40xf32, #tpu.memory_space<hbm>>
      %dma_wait3A_75 = arith.constant 0 : i32
      %dma_wait3A_76 = tpu.memref_slice %arg20[%mul3A_63, %dma_wait3A_75] : memref<10240x40xf32, #tpu.memory_space<vmem_shared>> -> memref<640x40xf32, #tpu.memory_space<vmem_shared>>
      tpu.wait_dma2 semaphore(%run_scoped3A_66 : memref<!tpu.dma_semaphore, #tpu.memory_space<semaphore_mem>>) src(%dma_wait3A_76 : memref<640x40xf32, #tpu.memory_space<vmem_shared>>) dst(%dma_wait3A_74 : memref<640x40xf32, #tpu.memory_space<hbm>>)
      tpu.yield
    }) : () -> ()
    return
  }
}

#map = affine_map<(d0, d1) -> (0, 0)>
#map1 = affine_map<(d0, d1) -> (0, 0, 0)>
module attributes {stable_mosaic.version = 14 : i64} {
  func.func @edge_agg(%arg0: i32, %arg1: i32, %arg2: memref<2x320000xi32, #tpu.memory_space<hbm>>, %arg3: memref<10000x16xf32, #tpu.memory_space<hbm>>, %arg4: memref<640x16xf32, #tpu.memory_space<hbm>>, %arg5: memref<2x10240x16xf32, #tpu.memory_space<hbm>>, %arg6: memref<10000xi32, #tpu.memory_space<vmem>>, %arg7: memref<10000xi32, #tpu.memory_space<vmem>>, %arg8: memref<128x16xf32, #tpu.memory_space<vmem>>, %arg9: memref<128x16xf32, #tpu.memory_space<vmem>>, %arg10: memref<128x16xf32, #tpu.memory_space<vmem>>, %arg11: memref<128x16xf32, #tpu.memory_space<vmem>>, %arg12: memref<128x16xf32, #tpu.memory_space<vmem>>, %arg13: memref<128x16xf32, #tpu.memory_space<vmem>>, %arg14: memref<!tpu.dma_semaphore, #tpu.memory_space<semaphore_mem>>, %arg15: memref<!tpu.dma_semaphore, #tpu.memory_space<semaphore_mem>>, %arg16: memref<!tpu.dma_semaphore, #tpu.memory_space<semaphore_mem>>, %arg17: memref<!tpu.dma_semaphore, #tpu.memory_space<semaphore_mem>>, %arg18: memref<!tpu.dma_semaphore, #tpu.memory_space<semaphore_mem>>, %arg19: memref<!tpu.dma_semaphore, #tpu.memory_space<semaphore_mem>>, %arg20: memref<10240x16xf32, #tpu.memory_space<vmem_shared>>, %arg21: memref<10000x16xf32, #tpu.memory_space<vmem_shared>>) attributes {dimension_semantics = [#tpu.dimension_semantics<core_parallel>, #tpu.dimension_semantics<subcore_parallel>], iteration_bounds = array<i64: 2, 16>, scalar_prefetch = 0 : i64, scratch_operands = 16 : i64, tpu.core_type = #tpu.core_type<sc_vector_subcore>, window_params = [{transform_indices = #map}, {transform_indices = #map}, {transform_indices = #map}, {transform_indices = #map1}]} {
    %mul3A = arith.constant 16 : i32
    %mul3A_0 = arith.muli %arg0, %mul3A : i32
    %add3A = arith.addi %mul3A_0, %arg1 : i32
    %mul3A_1 = arith.constant 640 : i32
    %mul3A_2 = arith.muli %arg1, %mul3A_1 : i32
    "tpu.region"() ({
      %run_scoped3A_66 = tpu.sem_alloc : memref<!tpu.dma_semaphore, #tpu.memory_space<semaphore_mem>>
      %dma_start3A_67 = arith.constant 0 : i32
      %dma_start3A_68 = tpu.memref_slice %arg20[%mul3A_2, %dma_start3A_67] : memref<10240x16xf32, #tpu.memory_space<vmem_shared>> -> memref<640x16xf32, #tpu.memory_space<vmem_shared>>
      tpu.enqueue_dma source(%arg4 : memref<640x16xf32, #tpu.memory_space<hbm>>) target(%dma_start3A_68 : memref<640x16xf32, #tpu.memory_space<vmem_shared>>) target_semaphore(%run_scoped3A_66 : memref<!tpu.dma_semaphore, #tpu.memory_space<semaphore_mem>>)
      %dma_wait3A_69 = arith.constant 0 : i32
      %dma_wait3A_70 = tpu.memref_slice %arg20[%mul3A_2, %dma_wait3A_69] : memref<10240x16xf32, #tpu.memory_space<vmem_shared>> -> memref<640x16xf32, #tpu.memory_space<vmem_shared>>
      tpu.wait_dma2 semaphore(%run_scoped3A_66 : memref<!tpu.dma_semaphore, #tpu.memory_space<semaphore_mem>>) src(%arg4 : memref<640x16xf32, #tpu.memory_space<hbm>>) dst(%dma_wait3A_70 : memref<640x16xf32, #tpu.memory_space<vmem_shared>>)
      tpu.yield
    }) : () -> ()
    %mul3A_3 = arith.constant 625 : i32
    %mul3A_4 = arith.muli %arg1, %mul3A_3 : i32
    %mul3A_5 = arith.constant 625 : i32
    %mul3A_6 = arith.muli %arg1, %mul3A_5 : i32
    "tpu.region"() ({
      %run_scoped3A_66 = tpu.sem_alloc : memref<!tpu.dma_semaphore, #tpu.memory_space<semaphore_mem>>
      %dma_start3A_67 = arith.constant 0 : i32
      %dma_start3A_68 = tpu.memref_slice %arg21[%mul3A_6, %dma_start3A_67] : memref<10000x16xf32, #tpu.memory_space<vmem_shared>> -> memref<625x16xf32, #tpu.memory_space<vmem_shared>>
      %dma_start3A_69 = arith.constant 0 : i32
      %dma_start3A_70 = tpu.memref_slice %arg3[%mul3A_4, %dma_start3A_69] : memref<10000x16xf32, #tpu.memory_space<hbm>> -> memref<625x16xf32, #tpu.memory_space<hbm>>
      tpu.enqueue_dma source(%dma_start3A_70 : memref<625x16xf32, #tpu.memory_space<hbm>>) target(%dma_start3A_68 : memref<625x16xf32, #tpu.memory_space<vmem_shared>>) target_semaphore(%run_scoped3A_66 : memref<!tpu.dma_semaphore, #tpu.memory_space<semaphore_mem>>)
      %dma_wait3A_71 = arith.constant 0 : i32
      %dma_wait3A_72 = tpu.memref_slice %arg21[%mul3A_6, %dma_wait3A_71] : memref<10000x16xf32, #tpu.memory_space<vmem_shared>> -> memref<625x16xf32, #tpu.memory_space<vmem_shared>>
      %dma_wait3A_73 = arith.constant 0 : i32
      %dma_wait3A_74 = tpu.memref_slice %arg3[%mul3A_4, %dma_wait3A_73] : memref<10000x16xf32, #tpu.memory_space<hbm>> -> memref<625x16xf32, #tpu.memory_space<hbm>>
      tpu.wait_dma2 semaphore(%run_scoped3A_66 : memref<!tpu.dma_semaphore, #tpu.memory_space<semaphore_mem>>) src(%dma_wait3A_74 : memref<625x16xf32, #tpu.memory_space<hbm>>) dst(%dma_wait3A_72 : memref<625x16xf32, #tpu.memory_space<vmem_shared>>)
      tpu.yield
    }) : () -> ()
    %mul3A_7 = arith.constant 10000 : i32
    %mul3A_8 = arith.muli %add3A, %mul3A_7 : i32
    %run_scoped3A = arith.constant 0 : i32
    "tpu.region"() ({
      %run_scoped3A_66 = tpu.sem_alloc : memref<!tpu.dma_semaphore, #tpu.memory_space<semaphore_mem>>
      %dma_start3A_67 = tpu.memref_slice %arg2[%run_scoped3A, %mul3A_8] : memref<2x320000xi32, #tpu.memory_space<hbm>> -> memref<1x10000xi32, #tpu.memory_space<hbm>>
      %dma_start3A_68 = tpu.memref_squeeze %dma_start3A_67 : memref<1x10000xi32, #tpu.memory_space<hbm>> -> memref<10000xi32, #tpu.memory_space<hbm>>
      %dma_start3A_69 = tpu.memref_slice %arg2[%run_scoped3A, %mul3A_8] : memref<2x320000xi32, #tpu.memory_space<hbm>> -> memref<1x10000xi32, #tpu.memory_space<hbm>>
      %dma_start3A_70 = tpu.memref_squeeze %dma_start3A_69 : memref<1x10000xi32, #tpu.memory_space<hbm>> -> memref<10000xi32, #tpu.memory_space<hbm>>
      tpu.enqueue_dma source(%dma_start3A_70 : memref<10000xi32, #tpu.memory_space<hbm>>) target(%arg6 : memref<10000xi32, #tpu.memory_space<vmem>>) target_semaphore(%run_scoped3A_66 : memref<!tpu.dma_semaphore, #tpu.memory_space<semaphore_mem>>)
      %dma_wait3A_71 = tpu.memref_slice %arg2[%run_scoped3A, %mul3A_8] : memref<2x320000xi32, #tpu.memory_space<hbm>> -> memref<1x10000xi32, #tpu.memory_space<hbm>>
      %dma_wait3A_72 = tpu.memref_squeeze %dma_wait3A_71 : memref<1x10000xi32, #tpu.memory_space<hbm>> -> memref<10000xi32, #tpu.memory_space<hbm>>
      %dma_wait3A_73 = tpu.memref_slice %arg2[%run_scoped3A, %mul3A_8] : memref<2x320000xi32, #tpu.memory_space<hbm>> -> memref<1x10000xi32, #tpu.memory_space<hbm>>
      %dma_wait3A_74 = tpu.memref_squeeze %dma_wait3A_73 : memref<1x10000xi32, #tpu.memory_space<hbm>> -> memref<10000xi32, #tpu.memory_space<hbm>>
      tpu.wait_dma2 semaphore(%run_scoped3A_66 : memref<!tpu.dma_semaphore, #tpu.memory_space<semaphore_mem>>) src(%dma_wait3A_74 : memref<10000xi32, #tpu.memory_space<hbm>>) dst(%arg6 : memref<10000xi32, #tpu.memory_space<vmem>>)
      tpu.yield
    }) : () -> ()
    %mul3A_9 = arith.constant 10000 : i32
    %mul3A_10 = arith.muli %add3A, %mul3A_9 : i32
    %run_scoped3A_11 = arith.constant 1 : i32
    "tpu.region"() ({
      %run_scoped3A_66 = tpu.sem_alloc : memref<!tpu.dma_semaphore, #tpu.memory_space<semaphore_mem>>
      %dma_start3A_67 = tpu.memref_slice %arg2[%run_scoped3A_11, %mul3A_10] : memref<2x320000xi32, #tpu.memory_space<hbm>> -> memref<1x10000xi32, #tpu.memory_space<hbm>>
      %dma_start3A_68 = tpu.memref_squeeze %dma_start3A_67 : memref<1x10000xi32, #tpu.memory_space<hbm>> -> memref<10000xi32, #tpu.memory_space<hbm>>
      %dma_start3A_69 = tpu.memref_slice %arg2[%run_scoped3A_11, %mul3A_10] : memref<2x320000xi32, #tpu.memory_space<hbm>> -> memref<1x10000xi32, #tpu.memory_space<hbm>>
      %dma_start3A_70 = tpu.memref_squeeze %dma_start3A_69 : memref<1x10000xi32, #tpu.memory_space<hbm>> -> memref<10000xi32, #tpu.memory_space<hbm>>
      tpu.enqueue_dma source(%dma_start3A_70 : memref<10000xi32, #tpu.memory_space<hbm>>) target(%arg7 : memref<10000xi32, #tpu.memory_space<vmem>>) target_semaphore(%run_scoped3A_66 : memref<!tpu.dma_semaphore, #tpu.memory_space<semaphore_mem>>)
      %dma_wait3A_71 = tpu.memref_slice %arg2[%run_scoped3A_11, %mul3A_10] : memref<2x320000xi32, #tpu.memory_space<hbm>> -> memref<1x10000xi32, #tpu.memory_space<hbm>>
      %dma_wait3A_72 = tpu.memref_squeeze %dma_wait3A_71 : memref<1x10000xi32, #tpu.memory_space<hbm>> -> memref<10000xi32, #tpu.memory_space<hbm>>
      %dma_wait3A_73 = tpu.memref_slice %arg2[%run_scoped3A_11, %mul3A_10] : memref<2x320000xi32, #tpu.memory_space<hbm>> -> memref<1x10000xi32, #tpu.memory_space<hbm>>
      %dma_wait3A_74 = tpu.memref_squeeze %dma_wait3A_73 : memref<1x10000xi32, #tpu.memory_space<hbm>> -> memref<10000xi32, #tpu.memory_space<hbm>>
      tpu.wait_dma2 semaphore(%run_scoped3A_66 : memref<!tpu.dma_semaphore, #tpu.memory_space<semaphore_mem>>) src(%dma_wait3A_74 : memref<10000xi32, #tpu.memory_space<hbm>>) dst(%arg7 : memref<10000xi32, #tpu.memory_space<vmem>>)
      tpu.yield
    }) : () -> ()
    %barrier3A = arith.constant 0 : index
    tpu.barrier barrier_id(%barrier3A)
    %dma_start3A = arith.constant 0 : i32
    %dma_start3A_12 = tpu.memref_slice %arg6[%dma_start3A] : memref<10000xi32, #tpu.memory_space<vmem>> -> memref<128xi32, #tpu.memory_space<vmem>>
    %dma_start3A_13 = arith.constant 0 : i32
    %dma_start3A_14 = arith.constant 0 : i32
    %dma_start3A_15 = tpu.memref_slice %arg21[%dma_start3A_13, %dma_start3A_14] : memref<10000x16xf32, #tpu.memory_space<vmem_shared>> -> memref<10000x16xf32, #tpu.memory_space<vmem_shared>>
    tpu.enqueue_indirect_dma source(%dma_start3A_15 : memref<10000x16xf32, #tpu.memory_space<vmem_shared>>) target(%arg8 : memref<128x16xf32, #tpu.memory_space<vmem>>) offsets(%dma_start3A_12 : memref<128xi32, #tpu.memory_space<vmem>>) semaphore(%arg14 : memref<!tpu.dma_semaphore, #tpu.memory_space<semaphore_mem>>)
    %dma_start3A_16 = arith.constant 128 : i32
    %dma_start3A_17 = tpu.memref_slice %arg6[%dma_start3A_16] : memref<10000xi32, #tpu.memory_space<vmem>> -> memref<128xi32, #tpu.memory_space<vmem>>
    %dma_start3A_18 = arith.constant 0 : i32
    %dma_start3A_19 = arith.constant 0 : i32
    %dma_start3A_20 = tpu.memref_slice %arg21[%dma_start3A_18, %dma_start3A_19] : memref<10000x16xf32, #tpu.memory_space<vmem_shared>> -> memref<10000x16xf32, #tpu.memory_space<vmem_shared>>
    tpu.enqueue_indirect_dma source(%dma_start3A_20 : memref<10000x16xf32, #tpu.memory_space<vmem_shared>>) target(%arg9 : memref<128x16xf32, #tpu.memory_space<vmem>>) offsets(%dma_start3A_17 : memref<128xi32, #tpu.memory_space<vmem>>) semaphore(%arg15 : memref<!tpu.dma_semaphore, #tpu.memory_space<semaphore_mem>>)
    %dma_start3A_21 = arith.constant 256 : i32
    %dma_start3A_22 = tpu.memref_slice %arg6[%dma_start3A_21] : memref<10000xi32, #tpu.memory_space<vmem>> -> memref<128xi32, #tpu.memory_space<vmem>>
    %dma_start3A_23 = arith.constant 0 : i32
    %dma_start3A_24 = arith.constant 0 : i32
    %dma_start3A_25 = tpu.memref_slice %arg21[%dma_start3A_23, %dma_start3A_24] : memref<10000x16xf32, #tpu.memory_space<vmem_shared>> -> memref<10000x16xf32, #tpu.memory_space<vmem_shared>>
    tpu.enqueue_indirect_dma source(%dma_start3A_25 : memref<10000x16xf32, #tpu.memory_space<vmem_shared>>) target(%arg10 : memref<128x16xf32, #tpu.memory_space<vmem>>) offsets(%dma_start3A_22 : memref<128xi32, #tpu.memory_space<vmem>>) semaphore(%arg16 : memref<!tpu.dma_semaphore, #tpu.memory_space<semaphore_mem>>)
    %dma_start3A_26 = arith.constant 384 : i32
    %dma_start3A_27 = tpu.memref_slice %arg6[%dma_start3A_26] : memref<10000xi32, #tpu.memory_space<vmem>> -> memref<128xi32, #tpu.memory_space<vmem>>
    %dma_start3A_28 = arith.constant 0 : i32
    %dma_start3A_29 = arith.constant 0 : i32
    %dma_start3A_30 = tpu.memref_slice %arg21[%dma_start3A_28, %dma_start3A_29] : memref<10000x16xf32, #tpu.memory_space<vmem_shared>> -> memref<10000x16xf32, #tpu.memory_space<vmem_shared>>
    tpu.enqueue_indirect_dma source(%dma_start3A_30 : memref<10000x16xf32, #tpu.memory_space<vmem_shared>>) target(%arg11 : memref<128x16xf32, #tpu.memory_space<vmem>>) offsets(%dma_start3A_27 : memref<128xi32, #tpu.memory_space<vmem>>) semaphore(%arg17 : memref<!tpu.dma_semaphore, #tpu.memory_space<semaphore_mem>>)
    %dma_start3A_31 = arith.constant 512 : i32
    %dma_start3A_32 = tpu.memref_slice %arg6[%dma_start3A_31] : memref<10000xi32, #tpu.memory_space<vmem>> -> memref<128xi32, #tpu.memory_space<vmem>>
    %dma_start3A_33 = arith.constant 0 : i32
    %dma_start3A_34 = arith.constant 0 : i32
    %dma_start3A_35 = tpu.memref_slice %arg21[%dma_start3A_33, %dma_start3A_34] : memref<10000x16xf32, #tpu.memory_space<vmem_shared>> -> memref<10000x16xf32, #tpu.memory_space<vmem_shared>>
    tpu.enqueue_indirect_dma source(%dma_start3A_35 : memref<10000x16xf32, #tpu.memory_space<vmem_shared>>) target(%arg12 : memref<128x16xf32, #tpu.memory_space<vmem>>) offsets(%dma_start3A_32 : memref<128xi32, #tpu.memory_space<vmem>>) semaphore(%arg18 : memref<!tpu.dma_semaphore, #tpu.memory_space<semaphore_mem>>)
    %dma_start3A_36 = arith.constant 640 : i32
    %dma_start3A_37 = tpu.memref_slice %arg6[%dma_start3A_36] : memref<10000xi32, #tpu.memory_space<vmem>> -> memref<128xi32, #tpu.memory_space<vmem>>
    %dma_start3A_38 = arith.constant 0 : i32
    %dma_start3A_39 = arith.constant 0 : i32
    %dma_start3A_40 = tpu.memref_slice %arg21[%dma_start3A_38, %dma_start3A_39] : memref<10000x16xf32, #tpu.memory_space<vmem_shared>> -> memref<10000x16xf32, #tpu.memory_space<vmem_shared>>
    tpu.enqueue_indirect_dma source(%dma_start3A_40 : memref<10000x16xf32, #tpu.memory_space<vmem_shared>>) target(%arg13 : memref<128x16xf32, #tpu.memory_space<vmem>>) offsets(%dma_start3A_37 : memref<128xi32, #tpu.memory_space<vmem>>) semaphore(%arg19 : memref<!tpu.dma_semaphore, #tpu.memory_space<semaphore_mem>>)
    %scan3A = arith.constant 0 : i32
    %scan3A_41 = arith.constant 0 : i32
    %scan3A_42 = arith.constant 13 : i32
    %scan3A_43 = arith.addi %scan3A_41, %scan3A_42 : i32
    %scan3A_44 = arith.constant 1 : i32
    scf.for %scan3A_66 = %scan3A_41 to %scan3A_43 step %scan3A_44  : i32 {
      %mul3A_67 = arith.constant 6 : i32
      %mul3A_68 = arith.muli %mul3A_67, %scan3A_66 : i32
      %add3A_69 = arith.constant 0 : i32
      %add3A_70 = arith.addi %mul3A_68, %add3A_69 : i32
      %mul3A_71 = arith.constant 128 : i32
      %mul3A_72 = arith.muli %add3A_70, %mul3A_71 : i32
      %dma_wait3A_73 = tpu.memref_slice %arg6[%mul3A_72] : memref<10000xi32, #tpu.memory_space<vmem>> -> memref<128xi32, #tpu.memory_space<vmem>>
      %dma_wait3A_74 = arith.constant 0 : i32
      %dma_wait3A_75 = arith.constant 0 : i32
      %dma_wait3A_76 = tpu.memref_slice %arg21[%dma_wait3A_74, %dma_wait3A_75] : memref<10000x16xf32, #tpu.memory_space<vmem_shared>> -> memref<10000x16xf32, #tpu.memory_space<vmem_shared>>
      tpu.wait_indirect_dma semaphore(%arg14 : memref<!tpu.dma_semaphore, #tpu.memory_space<semaphore_mem>>) src(%dma_wait3A_76 : memref<10000x16xf32, #tpu.memory_space<vmem_shared>>) dst(%arg8 : memref<128x16xf32, #tpu.memory_space<vmem>>)
      %mul3A_77 = arith.constant 128 : i32
      %mul3A_78 = arith.muli %add3A_70, %mul3A_77 : i32
      "tpu.region"() ({
        %run_scoped3A_178 = tpu.sem_alloc : memref<!tpu.dma_semaphore, #tpu.memory_space<semaphore_mem>>
        %dma_start3A_179 = tpu.memref_slice %arg7[%mul3A_78] : memref<10000xi32, #tpu.memory_space<vmem>> -> memref<128xi32, #tpu.memory_space<vmem>>
        %dma_start3A_180 = arith.constant 0 : i32
        %dma_start3A_181 = arith.constant 0 : i32
        %dma_start3A_182 = tpu.memref_slice %arg20[%dma_start3A_180, %dma_start3A_181] : memref<10240x16xf32, #tpu.memory_space<vmem_shared>> -> memref<10240x16xf32, #tpu.memory_space<vmem_shared>>
        tpu.enqueue_indirect_dma source(%arg8 : memref<128x16xf32, #tpu.memory_space<vmem>>) target(%dma_start3A_182 : memref<10240x16xf32, #tpu.memory_space<vmem_shared>>) offsets(%dma_start3A_179 : memref<128xi32, #tpu.memory_space<vmem>>) semaphore(%run_scoped3A_178 : memref<!tpu.dma_semaphore, #tpu.memory_space<semaphore_mem>>) {add = true}
        %dma_wait3A_183 = tpu.memref_slice %arg7[%mul3A_78] : memref<10000xi32, #tpu.memory_space<vmem>> -> memref<128xi32, #tpu.memory_space<vmem>>
        %dma_wait3A_184 = arith.constant 0 : i32
        %dma_wait3A_185 = arith.constant 0 : i32
        %dma_wait3A_186 = tpu.memref_slice %arg20[%dma_wait3A_184, %dma_wait3A_185] : memref<10240x16xf32, #tpu.memory_space<vmem_shared>> -> memref<10240x16xf32, #tpu.memory_space<vmem_shared>>
        tpu.wait_indirect_dma semaphore(%run_scoped3A_178 : memref<!tpu.dma_semaphore, #tpu.memory_space<semaphore_mem>>) src(%arg8 : memref<128x16xf32, #tpu.memory_space<vmem>>) dst(%dma_wait3A_186 : memref<10240x16xf32, #tpu.memory_space<vmem_shared>>)
        tpu.yield
      }) : () -> ()
      %add3A_79 = arith.constant 6 : i32
      %add3A_80 = arith.addi %add3A_70, %add3A_79 : i32
      %lt3A = arith.constant 78 : i32
      %lt3A_81 = arith.cmpi slt, %add3A_80, %lt3A : i32
      %convert_element_type3A = arith.extui %lt3A_81 : i1 to i32
      %cond3A = arith.constant 0 : i32
      %cond3A_82 = arith.cmpi ne, %convert_element_type3A, %cond3A : i32
      scf.if %cond3A_82 {
        %add3A_178 = arith.constant 6 : i32
        %add3A_179 = arith.addi %add3A_70, %add3A_178 : i32
        %mul3A_180 = arith.constant 128 : i32
        %mul3A_181 = arith.muli %add3A_179, %mul3A_180 : i32
        %dma_start3A_182 = tpu.memref_slice %arg6[%mul3A_181] : memref<10000xi32, #tpu.memory_space<vmem>> -> memref<128xi32, #tpu.memory_space<vmem>>
        %dma_start3A_183 = arith.constant 0 : i32
        %dma_start3A_184 = arith.constant 0 : i32
        %dma_start3A_185 = tpu.memref_slice %arg21[%dma_start3A_183, %dma_start3A_184] : memref<10000x16xf32, #tpu.memory_space<vmem_shared>> -> memref<10000x16xf32, #tpu.memory_space<vmem_shared>>
        tpu.enqueue_indirect_dma source(%dma_start3A_185 : memref<10000x16xf32, #tpu.memory_space<vmem_shared>>) target(%arg8 : memref<128x16xf32, #tpu.memory_space<vmem>>) offsets(%dma_start3A_182 : memref<128xi32, #tpu.memory_space<vmem>>) semaphore(%arg14 : memref<!tpu.dma_semaphore, #tpu.memory_space<semaphore_mem>>)
      } else {
      }
      %mul3A_83 = arith.constant 6 : i32
      %mul3A_84 = arith.muli %mul3A_83, %scan3A_66 : i32
      %add3A_85 = arith.constant 1 : i32
      %add3A_86 = arith.addi %mul3A_84, %add3A_85 : i32
      %mul3A_87 = arith.constant 128 : i32
      %mul3A_88 = arith.muli %add3A_86, %mul3A_87 : i32
      %dma_wait3A_89 = tpu.memref_slice %arg6[%mul3A_88] : memref<10000xi32, #tpu.memory_space<vmem>> -> memref<128xi32, #tpu.memory_space<vmem>>
      %dma_wait3A_90 = arith.constant 0 : i32
      %dma_wait3A_91 = arith.constant 0 : i32
      %dma_wait3A_92 = tpu.memref_slice %arg21[%dma_wait3A_90, %dma_wait3A_91] : memref<10000x16xf32, #tpu.memory_space<vmem_shared>> -> memref<10000x16xf32, #tpu.memory_space<vmem_shared>>
      tpu.wait_indirect_dma semaphore(%arg15 : memref<!tpu.dma_semaphore, #tpu.memory_space<semaphore_mem>>) src(%dma_wait3A_92 : memref<10000x16xf32, #tpu.memory_space<vmem_shared>>) dst(%arg9 : memref<128x16xf32, #tpu.memory_space<vmem>>)
      %mul3A_93 = arith.constant 128 : i32
      %mul3A_94 = arith.muli %add3A_86, %mul3A_93 : i32
      "tpu.region"() ({
        %run_scoped3A_178 = tpu.sem_alloc : memref<!tpu.dma_semaphore, #tpu.memory_space<semaphore_mem>>
        %dma_start3A_179 = tpu.memref_slice %arg7[%mul3A_94] : memref<10000xi32, #tpu.memory_space<vmem>> -> memref<128xi32, #tpu.memory_space<vmem>>
        %dma_start3A_180 = arith.constant 0 : i32
        %dma_start3A_181 = arith.constant 0 : i32
        %dma_start3A_182 = tpu.memref_slice %arg20[%dma_start3A_180, %dma_start3A_181] : memref<10240x16xf32, #tpu.memory_space<vmem_shared>> -> memref<10240x16xf32, #tpu.memory_space<vmem_shared>>
        tpu.enqueue_indirect_dma source(%arg9 : memref<128x16xf32, #tpu.memory_space<vmem>>) target(%dma_start3A_182 : memref<10240x16xf32, #tpu.memory_space<vmem_shared>>) offsets(%dma_start3A_179 : memref<128xi32, #tpu.memory_space<vmem>>) semaphore(%run_scoped3A_178 : memref<!tpu.dma_semaphore, #tpu.memory_space<semaphore_mem>>) {add = true}
        %dma_wait3A_183 = tpu.memref_slice %arg7[%mul3A_94] : memref<10000xi32, #tpu.memory_space<vmem>> -> memref<128xi32, #tpu.memory_space<vmem>>
        %dma_wait3A_184 = arith.constant 0 : i32
        %dma_wait3A_185 = arith.constant 0 : i32
        %dma_wait3A_186 = tpu.memref_slice %arg20[%dma_wait3A_184, %dma_wait3A_185] : memref<10240x16xf32, #tpu.memory_space<vmem_shared>> -> memref<10240x16xf32, #tpu.memory_space<vmem_shared>>
        tpu.wait_indirect_dma semaphore(%run_scoped3A_178 : memref<!tpu.dma_semaphore, #tpu.memory_space<semaphore_mem>>) src(%arg9 : memref<128x16xf32, #tpu.memory_space<vmem>>) dst(%dma_wait3A_186 : memref<10240x16xf32, #tpu.memory_space<vmem_shared>>)
        tpu.yield
      }) : () -> ()
      %add3A_95 = arith.constant 6 : i32
      %add3A_96 = arith.addi %add3A_86, %add3A_95 : i32
      %lt3A_97 = arith.constant 78 : i32
      %lt3A_98 = arith.cmpi slt, %add3A_96, %lt3A_97 : i32
      %convert_element_type3A_99 = arith.extui %lt3A_98 : i1 to i32
      %cond3A_100 = arith.constant 0 : i32
      %cond3A_101 = arith.cmpi ne, %convert_element_type3A_99, %cond3A_100 : i32
      scf.if %cond3A_101 {
        %add3A_178 = arith.constant 6 : i32
        %add3A_179 = arith.addi %add3A_86, %add3A_178 : i32
        %mul3A_180 = arith.constant 128 : i32
        %mul3A_181 = arith.muli %add3A_179, %mul3A_180 : i32
        %dma_start3A_182 = tpu.memref_slice %arg6[%mul3A_181] : memref<10000xi32, #tpu.memory_space<vmem>> -> memref<128xi32, #tpu.memory_space<vmem>>
        %dma_start3A_183 = arith.constant 0 : i32
        %dma_start3A_184 = arith.constant 0 : i32
        %dma_start3A_185 = tpu.memref_slice %arg21[%dma_start3A_183, %dma_start3A_184] : memref<10000x16xf32, #tpu.memory_space<vmem_shared>> -> memref<10000x16xf32, #tpu.memory_space<vmem_shared>>
        tpu.enqueue_indirect_dma source(%dma_start3A_185 : memref<10000x16xf32, #tpu.memory_space<vmem_shared>>) target(%arg9 : memref<128x16xf32, #tpu.memory_space<vmem>>) offsets(%dma_start3A_182 : memref<128xi32, #tpu.memory_space<vmem>>) semaphore(%arg15 : memref<!tpu.dma_semaphore, #tpu.memory_space<semaphore_mem>>)
      } else {
      }
      %mul3A_102 = arith.constant 6 : i32
      %mul3A_103 = arith.muli %mul3A_102, %scan3A_66 : i32
      %add3A_104 = arith.constant 2 : i32
      %add3A_105 = arith.addi %mul3A_103, %add3A_104 : i32
      %mul3A_106 = arith.constant 128 : i32
      %mul3A_107 = arith.muli %add3A_105, %mul3A_106 : i32
      %dma_wait3A_108 = tpu.memref_slice %arg6[%mul3A_107] : memref<10000xi32, #tpu.memory_space<vmem>> -> memref<128xi32, #tpu.memory_space<vmem>>
      %dma_wait3A_109 = arith.constant 0 : i32
      %dma_wait3A_110 = arith.constant 0 : i32
      %dma_wait3A_111 = tpu.memref_slice %arg21[%dma_wait3A_109, %dma_wait3A_110] : memref<10000x16xf32, #tpu.memory_space<vmem_shared>> -> memref<10000x16xf32, #tpu.memory_space<vmem_shared>>
      tpu.wait_indirect_dma semaphore(%arg16 : memref<!tpu.dma_semaphore, #tpu.memory_space<semaphore_mem>>) src(%dma_wait3A_111 : memref<10000x16xf32, #tpu.memory_space<vmem_shared>>) dst(%arg10 : memref<128x16xf32, #tpu.memory_space<vmem>>)
      %mul3A_112 = arith.constant 128 : i32
      %mul3A_113 = arith.muli %add3A_105, %mul3A_112 : i32
      "tpu.region"() ({
        %run_scoped3A_178 = tpu.sem_alloc : memref<!tpu.dma_semaphore, #tpu.memory_space<semaphore_mem>>
        %dma_start3A_179 = tpu.memref_slice %arg7[%mul3A_113] : memref<10000xi32, #tpu.memory_space<vmem>> -> memref<128xi32, #tpu.memory_space<vmem>>
        %dma_start3A_180 = arith.constant 0 : i32
        %dma_start3A_181 = arith.constant 0 : i32
        %dma_start3A_182 = tpu.memref_slice %arg20[%dma_start3A_180, %dma_start3A_181] : memref<10240x16xf32, #tpu.memory_space<vmem_shared>> -> memref<10240x16xf32, #tpu.memory_space<vmem_shared>>
        tpu.enqueue_indirect_dma source(%arg10 : memref<128x16xf32, #tpu.memory_space<vmem>>) target(%dma_start3A_182 : memref<10240x16xf32, #tpu.memory_space<vmem_shared>>) offsets(%dma_start3A_179 : memref<128xi32, #tpu.memory_space<vmem>>) semaphore(%run_scoped3A_178 : memref<!tpu.dma_semaphore, #tpu.memory_space<semaphore_mem>>) {add = true}
        %dma_wait3A_183 = tpu.memref_slice %arg7[%mul3A_113] : memref<10000xi32, #tpu.memory_space<vmem>> -> memref<128xi32, #tpu.memory_space<vmem>>
        %dma_wait3A_184 = arith.constant 0 : i32
        %dma_wait3A_185 = arith.constant 0 : i32
        %dma_wait3A_186 = tpu.memref_slice %arg20[%dma_wait3A_184, %dma_wait3A_185] : memref<10240x16xf32, #tpu.memory_space<vmem_shared>> -> memref<10240x16xf32, #tpu.memory_space<vmem_shared>>
        tpu.wait_indirect_dma semaphore(%run_scoped3A_178 : memref<!tpu.dma_semaphore, #tpu.memory_space<semaphore_mem>>) src(%arg10 : memref<128x16xf32, #tpu.memory_space<vmem>>) dst(%dma_wait3A_186 : memref<10240x16xf32, #tpu.memory_space<vmem_shared>>)
        tpu.yield
      }) : () -> ()
      %add3A_114 = arith.constant 6 : i32
      %add3A_115 = arith.addi %add3A_105, %add3A_114 : i32
      %lt3A_116 = arith.constant 78 : i32
      %lt3A_117 = arith.cmpi slt, %add3A_115, %lt3A_116 : i32
      %convert_element_type3A_118 = arith.extui %lt3A_117 : i1 to i32
      %cond3A_119 = arith.constant 0 : i32
      %cond3A_120 = arith.cmpi ne, %convert_element_type3A_118, %cond3A_119 : i32
      scf.if %cond3A_120 {
        %add3A_178 = arith.constant 6 : i32
        %add3A_179 = arith.addi %add3A_105, %add3A_178 : i32
        %mul3A_180 = arith.constant 128 : i32
        %mul3A_181 = arith.muli %add3A_179, %mul3A_180 : i32
        %dma_start3A_182 = tpu.memref_slice %arg6[%mul3A_181] : memref<10000xi32, #tpu.memory_space<vmem>> -> memref<128xi32, #tpu.memory_space<vmem>>
        %dma_start3A_183 = arith.constant 0 : i32
        %dma_start3A_184 = arith.constant 0 : i32
        %dma_start3A_185 = tpu.memref_slice %arg21[%dma_start3A_183, %dma_start3A_184] : memref<10000x16xf32, #tpu.memory_space<vmem_shared>> -> memref<10000x16xf32, #tpu.memory_space<vmem_shared>>
        tpu.enqueue_indirect_dma source(%dma_start3A_185 : memref<10000x16xf32, #tpu.memory_space<vmem_shared>>) target(%arg10 : memref<128x16xf32, #tpu.memory_space<vmem>>) offsets(%dma_start3A_182 : memref<128xi32, #tpu.memory_space<vmem>>) semaphore(%arg16 : memref<!tpu.dma_semaphore, #tpu.memory_space<semaphore_mem>>)
      } else {
      }
      %mul3A_121 = arith.constant 6 : i32
      %mul3A_122 = arith.muli %mul3A_121, %scan3A_66 : i32
      %add3A_123 = arith.constant 3 : i32
      %add3A_124 = arith.addi %mul3A_122, %add3A_123 : i32
      %mul3A_125 = arith.constant 128 : i32
      %mul3A_126 = arith.muli %add3A_124, %mul3A_125 : i32
      %dma_wait3A_127 = tpu.memref_slice %arg6[%mul3A_126] : memref<10000xi32, #tpu.memory_space<vmem>> -> memref<128xi32, #tpu.memory_space<vmem>>
      %dma_wait3A_128 = arith.constant 0 : i32
      %dma_wait3A_129 = arith.constant 0 : i32
      %dma_wait3A_130 = tpu.memref_slice %arg21[%dma_wait3A_128, %dma_wait3A_129] : memref<10000x16xf32, #tpu.memory_space<vmem_shared>> -> memref<10000x16xf32, #tpu.memory_space<vmem_shared>>
      tpu.wait_indirect_dma semaphore(%arg17 : memref<!tpu.dma_semaphore, #tpu.memory_space<semaphore_mem>>) src(%dma_wait3A_130 : memref<10000x16xf32, #tpu.memory_space<vmem_shared>>) dst(%arg11 : memref<128x16xf32, #tpu.memory_space<vmem>>)
      %mul3A_131 = arith.constant 128 : i32
      %mul3A_132 = arith.muli %add3A_124, %mul3A_131 : i32
      "tpu.region"() ({
        %run_scoped3A_178 = tpu.sem_alloc : memref<!tpu.dma_semaphore, #tpu.memory_space<semaphore_mem>>
        %dma_start3A_179 = tpu.memref_slice %arg7[%mul3A_132] : memref<10000xi32, #tpu.memory_space<vmem>> -> memref<128xi32, #tpu.memory_space<vmem>>
        %dma_start3A_180 = arith.constant 0 : i32
        %dma_start3A_181 = arith.constant 0 : i32
        %dma_start3A_182 = tpu.memref_slice %arg20[%dma_start3A_180, %dma_start3A_181] : memref<10240x16xf32, #tpu.memory_space<vmem_shared>> -> memref<10240x16xf32, #tpu.memory_space<vmem_shared>>
        tpu.enqueue_indirect_dma source(%arg11 : memref<128x16xf32, #tpu.memory_space<vmem>>) target(%dma_start3A_182 : memref<10240x16xf32, #tpu.memory_space<vmem_shared>>) offsets(%dma_start3A_179 : memref<128xi32, #tpu.memory_space<vmem>>) semaphore(%run_scoped3A_178 : memref<!tpu.dma_semaphore, #tpu.memory_space<semaphore_mem>>) {add = true}
        %dma_wait3A_183 = tpu.memref_slice %arg7[%mul3A_132] : memref<10000xi32, #tpu.memory_space<vmem>> -> memref<128xi32, #tpu.memory_space<vmem>>
        %dma_wait3A_184 = arith.constant 0 : i32
        %dma_wait3A_185 = arith.constant 0 : i32
        %dma_wait3A_186 = tpu.memref_slice %arg20[%dma_wait3A_184, %dma_wait3A_185] : memref<10240x16xf32, #tpu.memory_space<vmem_shared>> -> memref<10240x16xf32, #tpu.memory_space<vmem_shared>>
        tpu.wait_indirect_dma semaphore(%run_scoped3A_178 : memref<!tpu.dma_semaphore, #tpu.memory_space<semaphore_mem>>) src(%arg11 : memref<128x16xf32, #tpu.memory_space<vmem>>) dst(%dma_wait3A_186 : memref<10240x16xf32, #tpu.memory_space<vmem_shared>>)
        tpu.yield
      }) : () -> ()
      %add3A_133 = arith.constant 6 : i32
      %add3A_134 = arith.addi %add3A_124, %add3A_133 : i32
      %lt3A_135 = arith.constant 78 : i32
      %lt3A_136 = arith.cmpi slt, %add3A_134, %lt3A_135 : i32
      %convert_element_type3A_137 = arith.extui %lt3A_136 : i1 to i32
      %cond3A_138 = arith.constant 0 : i32
      %cond3A_139 = arith.cmpi ne, %convert_element_type3A_137, %cond3A_138 : i32
      scf.if %cond3A_139 {
        %add3A_178 = arith.constant 6 : i32
        %add3A_179 = arith.addi %add3A_124, %add3A_178 : i32
        %mul3A_180 = arith.constant 128 : i32
        %mul3A_181 = arith.muli %add3A_179, %mul3A_180 : i32
        %dma_start3A_182 = tpu.memref_slice %arg6[%mul3A_181] : memref<10000xi32, #tpu.memory_space<vmem>> -> memref<128xi32, #tpu.memory_space<vmem>>
        %dma_start3A_183 = arith.constant 0 : i32
        %dma_start3A_184 = arith.constant 0 : i32
        %dma_start3A_185 = tpu.memref_slice %arg21[%dma_start3A_183, %dma_start3A_184] : memref<10000x16xf32, #tpu.memory_space<vmem_shared>> -> memref<10000x16xf32, #tpu.memory_space<vmem_shared>>
        tpu.enqueue_indirect_dma source(%dma_start3A_185 : memref<10000x16xf32, #tpu.memory_space<vmem_shared>>) target(%arg11 : memref<128x16xf32, #tpu.memory_space<vmem>>) offsets(%dma_start3A_182 : memref<128xi32, #tpu.memory_space<vmem>>) semaphore(%arg17 : memref<!tpu.dma_semaphore, #tpu.memory_space<semaphore_mem>>)
      } else {
      }
      %mul3A_140 = arith.constant 6 : i32
      %mul3A_141 = arith.muli %mul3A_140, %scan3A_66 : i32
      %add3A_142 = arith.constant 4 : i32
      %add3A_143 = arith.addi %mul3A_141, %add3A_142 : i32
      %mul3A_144 = arith.constant 128 : i32
      %mul3A_145 = arith.muli %add3A_143, %mul3A_144 : i32
      %dma_wait3A_146 = tpu.memref_slice %arg6[%mul3A_145] : memref<10000xi32, #tpu.memory_space<vmem>> -> memref<128xi32, #tpu.memory_space<vmem>>
      %dma_wait3A_147 = arith.constant 0 : i32
      %dma_wait3A_148 = arith.constant 0 : i32
      %dma_wait3A_149 = tpu.memref_slice %arg21[%dma_wait3A_147, %dma_wait3A_148] : memref<10000x16xf32, #tpu.memory_space<vmem_shared>> -> memref<10000x16xf32, #tpu.memory_space<vmem_shared>>
      tpu.wait_indirect_dma semaphore(%arg18 : memref<!tpu.dma_semaphore, #tpu.memory_space<semaphore_mem>>) src(%dma_wait3A_149 : memref<10000x16xf32, #tpu.memory_space<vmem_shared>>) dst(%arg12 : memref<128x16xf32, #tpu.memory_space<vmem>>)
      %mul3A_150 = arith.constant 128 : i32
      %mul3A_151 = arith.muli %add3A_143, %mul3A_150 : i32
      "tpu.region"() ({
        %run_scoped3A_178 = tpu.sem_alloc : memref<!tpu.dma_semaphore, #tpu.memory_space<semaphore_mem>>
        %dma_start3A_179 = tpu.memref_slice %arg7[%mul3A_151] : memref<10000xi32, #tpu.memory_space<vmem>> -> memref<128xi32, #tpu.memory_space<vmem>>
        %dma_start3A_180 = arith.constant 0 : i32
        %dma_start3A_181 = arith.constant 0 : i32
        %dma_start3A_182 = tpu.memref_slice %arg20[%dma_start3A_180, %dma_start3A_181] : memref<10240x16xf32, #tpu.memory_space<vmem_shared>> -> memref<10240x16xf32, #tpu.memory_space<vmem_shared>>
        tpu.enqueue_indirect_dma source(%arg12 : memref<128x16xf32, #tpu.memory_space<vmem>>) target(%dma_start3A_182 : memref<10240x16xf32, #tpu.memory_space<vmem_shared>>) offsets(%dma_start3A_179 : memref<128xi32, #tpu.memory_space<vmem>>) semaphore(%run_scoped3A_178 : memref<!tpu.dma_semaphore, #tpu.memory_space<semaphore_mem>>) {add = true}
        %dma_wait3A_183 = tpu.memref_slice %arg7[%mul3A_151] : memref<10000xi32, #tpu.memory_space<vmem>> -> memref<128xi32, #tpu.memory_space<vmem>>
        %dma_wait3A_184 = arith.constant 0 : i32
        %dma_wait3A_185 = arith.constant 0 : i32
        %dma_wait3A_186 = tpu.memref_slice %arg20[%dma_wait3A_184, %dma_wait3A_185] : memref<10240x16xf32, #tpu.memory_space<vmem_shared>> -> memref<10240x16xf32, #tpu.memory_space<vmem_shared>>
        tpu.wait_indirect_dma semaphore(%run_scoped3A_178 : memref<!tpu.dma_semaphore, #tpu.memory_space<semaphore_mem>>) src(%arg12 : memref<128x16xf32, #tpu.memory_space<vmem>>) dst(%dma_wait3A_186 : memref<10240x16xf32, #tpu.memory_space<vmem_shared>>)
        tpu.yield
      }) : () -> ()
      %add3A_152 = arith.constant 6 : i32
      %add3A_153 = arith.addi %add3A_143, %add3A_152 : i32
      %lt3A_154 = arith.constant 78 : i32
      %lt3A_155 = arith.cmpi slt, %add3A_153, %lt3A_154 : i32
      %convert_element_type3A_156 = arith.extui %lt3A_155 : i1 to i32
      %cond3A_157 = arith.constant 0 : i32
      %cond3A_158 = arith.cmpi ne, %convert_element_type3A_156, %cond3A_157 : i32
      scf.if %cond3A_158 {
        %add3A_178 = arith.constant 6 : i32
        %add3A_179 = arith.addi %add3A_143, %add3A_178 : i32
        %mul3A_180 = arith.constant 128 : i32
        %mul3A_181 = arith.muli %add3A_179, %mul3A_180 : i32
        %dma_start3A_182 = tpu.memref_slice %arg6[%mul3A_181] : memref<10000xi32, #tpu.memory_space<vmem>> -> memref<128xi32, #tpu.memory_space<vmem>>
        %dma_start3A_183 = arith.constant 0 : i32
        %dma_start3A_184 = arith.constant 0 : i32
        %dma_start3A_185 = tpu.memref_slice %arg21[%dma_start3A_183, %dma_start3A_184] : memref<10000x16xf32, #tpu.memory_space<vmem_shared>> -> memref<10000x16xf32, #tpu.memory_space<vmem_shared>>
        tpu.enqueue_indirect_dma source(%dma_start3A_185 : memref<10000x16xf32, #tpu.memory_space<vmem_shared>>) target(%arg12 : memref<128x16xf32, #tpu.memory_space<vmem>>) offsets(%dma_start3A_182 : memref<128xi32, #tpu.memory_space<vmem>>) semaphore(%arg18 : memref<!tpu.dma_semaphore, #tpu.memory_space<semaphore_mem>>)
      } else {
      }
      %mul3A_159 = arith.constant 6 : i32
      %mul3A_160 = arith.muli %mul3A_159, %scan3A_66 : i32
      %add3A_161 = arith.constant 5 : i32
      %add3A_162 = arith.addi %mul3A_160, %add3A_161 : i32
      %mul3A_163 = arith.constant 128 : i32
      %mul3A_164 = arith.muli %add3A_162, %mul3A_163 : i32
      %dma_wait3A_165 = tpu.memref_slice %arg6[%mul3A_164] : memref<10000xi32, #tpu.memory_space<vmem>> -> memref<128xi32, #tpu.memory_space<vmem>>
      %dma_wait3A_166 = arith.constant 0 : i32
      %dma_wait3A_167 = arith.constant 0 : i32
      %dma_wait3A_168 = tpu.memref_slice %arg21[%dma_wait3A_166, %dma_wait3A_167] : memref<10000x16xf32, #tpu.memory_space<vmem_shared>> -> memref<10000x16xf32, #tpu.memory_space<vmem_shared>>
      tpu.wait_indirect_dma semaphore(%arg19 : memref<!tpu.dma_semaphore, #tpu.memory_space<semaphore_mem>>) src(%dma_wait3A_168 : memref<10000x16xf32, #tpu.memory_space<vmem_shared>>) dst(%arg13 : memref<128x16xf32, #tpu.memory_space<vmem>>)
      %mul3A_169 = arith.constant 128 : i32
      %mul3A_170 = arith.muli %add3A_162, %mul3A_169 : i32
      "tpu.region"() ({
        %run_scoped3A_178 = tpu.sem_alloc : memref<!tpu.dma_semaphore, #tpu.memory_space<semaphore_mem>>
        %dma_start3A_179 = tpu.memref_slice %arg7[%mul3A_170] : memref<10000xi32, #tpu.memory_space<vmem>> -> memref<128xi32, #tpu.memory_space<vmem>>
        %dma_start3A_180 = arith.constant 0 : i32
        %dma_start3A_181 = arith.constant 0 : i32
        %dma_start3A_182 = tpu.memref_slice %arg20[%dma_start3A_180, %dma_start3A_181] : memref<10240x16xf32, #tpu.memory_space<vmem_shared>> -> memref<10240x16xf32, #tpu.memory_space<vmem_shared>>
        tpu.enqueue_indirect_dma source(%arg13 : memref<128x16xf32, #tpu.memory_space<vmem>>) target(%dma_start3A_182 : memref<10240x16xf32, #tpu.memory_space<vmem_shared>>) offsets(%dma_start3A_179 : memref<128xi32, #tpu.memory_space<vmem>>) semaphore(%run_scoped3A_178 : memref<!tpu.dma_semaphore, #tpu.memory_space<semaphore_mem>>) {add = true}
        %dma_wait3A_183 = tpu.memref_slice %arg7[%mul3A_170] : memref<10000xi32, #tpu.memory_space<vmem>> -> memref<128xi32, #tpu.memory_space<vmem>>
        %dma_wait3A_184 = arith.constant 0 : i32
        %dma_wait3A_185 = arith.constant 0 : i32
        %dma_wait3A_186 = tpu.memref_slice %arg20[%dma_wait3A_184, %dma_wait3A_185] : memref<10240x16xf32, #tpu.memory_space<vmem_shared>> -> memref<10240x16xf32, #tpu.memory_space<vmem_shared>>
        tpu.wait_indirect_dma semaphore(%run_scoped3A_178 : memref<!tpu.dma_semaphore, #tpu.memory_space<semaphore_mem>>) src(%arg13 : memref<128x16xf32, #tpu.memory_space<vmem>>) dst(%dma_wait3A_186 : memref<10240x16xf32, #tpu.memory_space<vmem_shared>>)
        tpu.yield
      }) : () -> ()
      %add3A_171 = arith.constant 6 : i32
      %add3A_172 = arith.addi %add3A_162, %add3A_171 : i32
      %lt3A_173 = arith.constant 78 : i32
      %lt3A_174 = arith.cmpi slt, %add3A_172, %lt3A_173 : i32
      %convert_element_type3A_175 = arith.extui %lt3A_174 : i1 to i32
      %cond3A_176 = arith.constant 0 : i32
      %cond3A_177 = arith.cmpi ne, %convert_element_type3A_175, %cond3A_176 : i32
      scf.if %cond3A_177 {
        %add3A_178 = arith.constant 6 : i32
        %add3A_179 = arith.addi %add3A_162, %add3A_178 : i32
        %mul3A_180 = arith.constant 128 : i32
        %mul3A_181 = arith.muli %add3A_179, %mul3A_180 : i32
        %dma_start3A_182 = tpu.memref_slice %arg6[%mul3A_181] : memref<10000xi32, #tpu.memory_space<vmem>> -> memref<128xi32, #tpu.memory_space<vmem>>
        %dma_start3A_183 = arith.constant 0 : i32
        %dma_start3A_184 = arith.constant 0 : i32
        %dma_start3A_185 = tpu.memref_slice %arg21[%dma_start3A_183, %dma_start3A_184] : memref<10000x16xf32, #tpu.memory_space<vmem_shared>> -> memref<10000x16xf32, #tpu.memory_space<vmem_shared>>
        tpu.enqueue_indirect_dma source(%dma_start3A_185 : memref<10000x16xf32, #tpu.memory_space<vmem_shared>>) target(%arg13 : memref<128x16xf32, #tpu.memory_space<vmem>>) offsets(%dma_start3A_182 : memref<128xi32, #tpu.memory_space<vmem>>) semaphore(%arg19 : memref<!tpu.dma_semaphore, #tpu.memory_space<semaphore_mem>>)
      } else {
      }
    }
    %scan3A_45 = arith.constant 13 : i32
    %dma_start3A_46 = arith.constant 0 : i32
    %dma_start3A_47 = arith.constant 0 : i32
    %dma_start3A_48 = tpu.memref_slice %arg8[%dma_start3A_46, %dma_start3A_47] : memref<128x16xf32, #tpu.memory_space<vmem>> -> memref<16x16xf32, #tpu.memory_space<vmem>>
    %dma_start3A_49 = arith.constant 9984 : i32
    %dma_start3A_50 = tpu.memref_slice %arg6[%dma_start3A_49] : memref<10000xi32, #tpu.memory_space<vmem>> -> memref<16xi32, #tpu.memory_space<vmem>>
    %dma_start3A_51 = arith.constant 0 : i32
    %dma_start3A_52 = arith.constant 0 : i32
    %dma_start3A_53 = tpu.memref_slice %arg21[%dma_start3A_51, %dma_start3A_52] : memref<10000x16xf32, #tpu.memory_space<vmem_shared>> -> memref<10000x16xf32, #tpu.memory_space<vmem_shared>>
    tpu.enqueue_indirect_dma source(%dma_start3A_53 : memref<10000x16xf32, #tpu.memory_space<vmem_shared>>) target(%dma_start3A_48 : memref<16x16xf32, #tpu.memory_space<vmem>>) offsets(%dma_start3A_50 : memref<16xi32, #tpu.memory_space<vmem>>) semaphore(%arg14 : memref<!tpu.dma_semaphore, #tpu.memory_space<semaphore_mem>>)
    %dma_wait3A = arith.constant 0 : i32
    %dma_wait3A_54 = arith.constant 0 : i32
    %dma_wait3A_55 = tpu.memref_slice %arg8[%dma_wait3A, %dma_wait3A_54] : memref<128x16xf32, #tpu.memory_space<vmem>> -> memref<16x16xf32, #tpu.memory_space<vmem>>
    %dma_wait3A_56 = arith.constant 9984 : i32
    %dma_wait3A_57 = tpu.memref_slice %arg6[%dma_wait3A_56] : memref<10000xi32, #tpu.memory_space<vmem>> -> memref<16xi32, #tpu.memory_space<vmem>>
    %dma_wait3A_58 = arith.constant 0 : i32
    %dma_wait3A_59 = arith.constant 0 : i32
    %dma_wait3A_60 = tpu.memref_slice %arg21[%dma_wait3A_58, %dma_wait3A_59] : memref<10000x16xf32, #tpu.memory_space<vmem_shared>> -> memref<10000x16xf32, #tpu.memory_space<vmem_shared>>
    tpu.wait_indirect_dma semaphore(%arg14 : memref<!tpu.dma_semaphore, #tpu.memory_space<semaphore_mem>>) src(%dma_wait3A_60 : memref<10000x16xf32, #tpu.memory_space<vmem_shared>>) dst(%dma_wait3A_55 : memref<16x16xf32, #tpu.memory_space<vmem>>)
    "tpu.region"() ({
      %run_scoped3A_66 = tpu.sem_alloc : memref<!tpu.dma_semaphore, #tpu.memory_space<semaphore_mem>>
      %dma_start3A_67 = arith.constant 0 : i32
      %dma_start3A_68 = arith.constant 0 : i32
      %dma_start3A_69 = tpu.memref_slice %arg8[%dma_start3A_67, %dma_start3A_68] : memref<128x16xf32, #tpu.memory_space<vmem>> -> memref<16x16xf32, #tpu.memory_space<vmem>>
      %dma_start3A_70 = arith.constant 9984 : i32
      %dma_start3A_71 = tpu.memref_slice %arg7[%dma_start3A_70] : memref<10000xi32, #tpu.memory_space<vmem>> -> memref<16xi32, #tpu.memory_space<vmem>>
      %dma_start3A_72 = arith.constant 0 : i32
      %dma_start3A_73 = arith.constant 0 : i32
      %dma_start3A_74 = tpu.memref_slice %arg20[%dma_start3A_72, %dma_start3A_73] : memref<10240x16xf32, #tpu.memory_space<vmem_shared>> -> memref<10240x16xf32, #tpu.memory_space<vmem_shared>>
      tpu.enqueue_indirect_dma source(%dma_start3A_69 : memref<16x16xf32, #tpu.memory_space<vmem>>) target(%dma_start3A_74 : memref<10240x16xf32, #tpu.memory_space<vmem_shared>>) offsets(%dma_start3A_71 : memref<16xi32, #tpu.memory_space<vmem>>) semaphore(%run_scoped3A_66 : memref<!tpu.dma_semaphore, #tpu.memory_space<semaphore_mem>>) {add = true}
      %dma_wait3A_75 = arith.constant 0 : i32
      %dma_wait3A_76 = arith.constant 0 : i32
      %dma_wait3A_77 = tpu.memref_slice %arg8[%dma_wait3A_75, %dma_wait3A_76] : memref<128x16xf32, #tpu.memory_space<vmem>> -> memref<16x16xf32, #tpu.memory_space<vmem>>
      %dma_wait3A_78 = arith.constant 9984 : i32
      %dma_wait3A_79 = tpu.memref_slice %arg7[%dma_wait3A_78] : memref<10000xi32, #tpu.memory_space<vmem>> -> memref<16xi32, #tpu.memory_space<vmem>>
      %dma_wait3A_80 = arith.constant 0 : i32
      %dma_wait3A_81 = arith.constant 0 : i32
      %dma_wait3A_82 = tpu.memref_slice %arg20[%dma_wait3A_80, %dma_wait3A_81] : memref<10240x16xf32, #tpu.memory_space<vmem_shared>> -> memref<10240x16xf32, #tpu.memory_space<vmem_shared>>
      tpu.wait_indirect_dma semaphore(%run_scoped3A_66 : memref<!tpu.dma_semaphore, #tpu.memory_space<semaphore_mem>>) src(%dma_wait3A_77 : memref<16x16xf32, #tpu.memory_space<vmem>>) dst(%dma_wait3A_82 : memref<10240x16xf32, #tpu.memory_space<vmem_shared>>)
      tpu.yield
    }) : () -> ()
    %barrier3A_61 = arith.constant 0 : index
    tpu.barrier barrier_id(%barrier3A_61)
    %mul3A_62 = arith.constant 640 : i32
    %mul3A_63 = arith.muli %arg1, %mul3A_62 : i32
    %mul3A_64 = arith.constant 640 : i32
    %mul3A_65 = arith.muli %arg1, %mul3A_64 : i32
    "tpu.region"() ({
      %run_scoped3A_66 = tpu.sem_alloc : memref<!tpu.dma_semaphore, #tpu.memory_space<semaphore_mem>>
      %dma_start3A_67 = arith.constant 0 : i32
      %dma_start3A_68 = tpu.memref_slice %arg5[%arg0, %mul3A_65, %dma_start3A_67] : memref<2x10240x16xf32, #tpu.memory_space<hbm>> -> memref<1x640x16xf32, #tpu.memory_space<hbm>>
      %dma_start3A_69 = tpu.memref_squeeze %dma_start3A_68 : memref<1x640x16xf32, #tpu.memory_space<hbm>> -> memref<640x16xf32, #tpu.memory_space<hbm>>
      %dma_start3A_70 = arith.constant 0 : i32
      %dma_start3A_71 = tpu.memref_slice %arg20[%mul3A_63, %dma_start3A_70] : memref<10240x16xf32, #tpu.memory_space<vmem_shared>> -> memref<640x16xf32, #tpu.memory_space<vmem_shared>>
      tpu.enqueue_dma source(%dma_start3A_71 : memref<640x16xf32, #tpu.memory_space<vmem_shared>>) target(%dma_start3A_69 : memref<640x16xf32, #tpu.memory_space<hbm>>) target_semaphore(%run_scoped3A_66 : memref<!tpu.dma_semaphore, #tpu.memory_space<semaphore_mem>>)
      %dma_wait3A_72 = arith.constant 0 : i32
      %dma_wait3A_73 = tpu.memref_slice %arg5[%arg0, %mul3A_65, %dma_wait3A_72] : memref<2x10240x16xf32, #tpu.memory_space<hbm>> -> memref<1x640x16xf32, #tpu.memory_space<hbm>>
      %dma_wait3A_74 = tpu.memref_squeeze %dma_wait3A_73 : memref<1x640x16xf32, #tpu.memory_space<hbm>> -> memref<640x16xf32, #tpu.memory_space<hbm>>
      %dma_wait3A_75 = arith.constant 0 : i32
      %dma_wait3A_76 = tpu.memref_slice %arg20[%mul3A_63, %dma_wait3A_75] : memref<10240x16xf32, #tpu.memory_space<vmem_shared>> -> memref<640x16xf32, #tpu.memory_space<vmem_shared>>
      tpu.wait_dma2 semaphore(%run_scoped3A_66 : memref<!tpu.dma_semaphore, #tpu.memory_space<semaphore_mem>>) src(%dma_wait3A_76 : memref<640x16xf32, #tpu.memory_space<vmem_shared>>) dst(%dma_wait3A_74 : memref<640x16xf32, #tpu.memory_space<hbm>>)
      tpu.yield
    }) : () -> ()
    return
  }
}

module attributes {stable_mosaic.version = 14 : i64} {
  func.func @body(%arg0: memref<10000x128xf32, #tpu.memory_space<vmem>>, %arg1: memref<128x16xf32, #tpu.memory_space<vmem>>, %arg2: memref<10000x16xf32, #tpu.memory_space<vmem>>) attributes {dimension_semantics = [], scalar_prefetch = 0 : i64, scratch_operands = 0 : i64, tpu.core_type = #tpu.core_type<tc>} {
    %get3A = arith.constant 0 : index
    %get3A_0 = arith.constant 0 : index
    %get3A_1 = vector.load %arg0[%get3A, %get3A_0] : memref<10000x128xf32, #tpu.memory_space<vmem>>, vector<10000x128xf32>
    %get3A_2 = arith.constant 0 : index
    %get3A_3 = arith.constant 0 : index
    %get3A_4 = vector.load %arg1[%get3A_2, %get3A_3] : memref<128x16xf32, #tpu.memory_space<vmem>>, vector<128x16xf32>
    %dot_general3A = arith.constant dense<0.000000e+00> : vector<10000x16xf32>
    %dot_general3A_5 = tpu.matmul %get3A_1, %get3A_4, %dot_general3A {dimension_numbers = #tpu.dot_dimension_numbers<[1], [0], [0], [1], [0, 0, 1, 1], [], []>, transpose_lhs_hint = false} : vector<10000x128xf32>, vector<128x16xf32>, vector<10000x16xf32> -> vector<10000x16xf32>
    %swap3A = arith.constant 0 : index
    %swap3A_6 = arith.constant 0 : index
    %swap3A_7 = vector.load %arg2[%swap3A, %swap3A_6] : memref<10000x16xf32, #tpu.memory_space<vmem>>, vector<10000x16xf32>
    tpu.vector_store %arg2[%swap3A, %swap3A_6], %dot_general3A_5 {strides = array<i32>} : memref<10000x16xf32, #tpu.memory_space<vmem>>, vector<10000x16xf32>,
    return
  }
}

module attributes {stable_mosaic.version = 14 : i64} {
  func.func @body(%arg0: memref<2x10240x16xf32, #tpu.memory_space<vmem>>, %arg1: memref<16x40xf32, #tpu.memory_space<vmem>>, %arg2: memref<1x16xf32, #tpu.memory_space<vmem>>, %arg3: memref<10240x40xf32, #tpu.memory_space<vmem>>) attributes {dimension_semantics = [], scalar_prefetch = 0 : i64, scratch_operands = 0 : i64, tpu.core_type = #tpu.core_type<tc>} {
    %get3A = arith.constant 0 : index
    %get3A_0 = arith.constant 0 : index
    %get3A_1 = arith.constant 0 : index
    %get3A_2 = vector.load %arg0[%get3A, %get3A_0, %get3A_1] : memref<2x10240x16xf32, #tpu.memory_space<vmem>>, vector<1x10240x16xf32>
    %get3A_3 = vector.shape_cast %get3A_2 : vector<1x10240x16xf32> to vector<10240x16xf32>
    %get3A_4 = arith.constant 1 : index
    %get3A_5 = arith.constant 0 : index
    %get3A_6 = arith.constant 0 : index
    %get3A_7 = vector.load %arg0[%get3A_4, %get3A_5, %get3A_6] : memref<2x10240x16xf32, #tpu.memory_space<vmem>>, vector<1x10240x16xf32>
    %get3A_8 = vector.shape_cast %get3A_7 : vector<1x10240x16xf32> to vector<10240x16xf32>
    %add3A = arith.addf %get3A_3, %get3A_8 : vector<10240x16xf32>
    %get3A_9 = arith.constant 0 : index
    %get3A_10 = arith.constant 0 : index
    %get3A_11 = vector.load %arg2[%get3A_9, %get3A_10] : memref<1x16xf32, #tpu.memory_space<vmem>>, vector<1x16xf32>
    %add3A_12 = vector.broadcast %get3A_11 : vector<1x16xf32> to vector<10240x16xf32>
    %add3A_13 = arith.addf %add3A, %add3A_12 : vector<10240x16xf32>
    %max3A = arith.constant 0.000000e+00 : f32
    %max3A_14 = vector.broadcast %max3A : f32 to vector<10240x16xf32>
    %max3A_15 = arith.maximumf %add3A_13, %max3A_14 : vector<10240x16xf32>
    %get3A_16 = arith.constant 0 : index
    %get3A_17 = arith.constant 0 : index
    %get3A_18 = vector.load %arg1[%get3A_16, %get3A_17] : memref<16x40xf32, #tpu.memory_space<vmem>>, vector<16x40xf32>
    %dot_general3A = arith.constant dense<0.000000e+00> : vector<10240x40xf32>
    %dot_general3A_19 = tpu.matmul %max3A_15, %get3A_18, %dot_general3A {dimension_numbers = #tpu.dot_dimension_numbers<[1], [0], [0], [1], [0, 0, 1, 1], [], []>, transpose_lhs_hint = false} : vector<10240x16xf32>, vector<16x40xf32>, vector<10240x40xf32> -> vector<10240x40xf32>
    %swap3A = arith.constant 0 : index
    %swap3A_20 = arith.constant 0 : index
    %swap3A_21 = vector.load %arg3[%swap3A, %swap3A_20] : memref<10240x40xf32, #tpu.memory_space<vmem>>, vector<10240x40xf32>
    tpu.vector_store %arg3[%swap3A, %swap3A_20], %dot_general3A_19 {strides = array<i32>} : memref<10240x40xf32, #tpu.memory_space<vmem>>, vector<10240x40xf32>,
    return
  }
}

module attributes {stable_mosaic.version = 14 : i64} {
  func.func @body(%arg0: memref<2x10240x40xf32, #tpu.memory_space<vmem>>, %arg1: memref<1x40xf32, #tpu.memory_space<vmem>>, %arg2: memref<10000x40xf32, #tpu.memory_space<vmem>>) attributes {dimension_semantics = [], scalar_prefetch = 0 : i64, scratch_operands = 0 : i64, tpu.core_type = #tpu.core_type<tc>} {
    %get3A = arith.constant 0 : index
    %get3A_0 = arith.constant 0 : index
    %get3A_1 = arith.constant 0 : index
    %get3A_2 = vector.load %arg0[%get3A, %get3A_0, %get3A_1] : memref<2x10240x40xf32, #tpu.memory_space<vmem>>, vector<1x10000x40xf32>
    %get3A_3 = vector.shape_cast %get3A_2 : vector<1x10000x40xf32> to vector<10000x40xf32>
    %get3A_4 = arith.constant 1 : index
    %get3A_5 = arith.constant 0 : index
    %get3A_6 = arith.constant 0 : index
    %get3A_7 = vector.load %arg0[%get3A_4, %get3A_5, %get3A_6] : memref<2x10240x40xf32, #tpu.memory_space<vmem>>, vector<1x10000x40xf32>
    %get3A_8 = vector.shape_cast %get3A_7 : vector<1x10000x40xf32> to vector<10000x40xf32>
    %add3A = arith.addf %get3A_3, %get3A_8 : vector<10000x40xf32>
    %get3A_9 = arith.constant 0 : index
    %get3A_10 = arith.constant 0 : index
    %get3A_11 = vector.load %arg1[%get3A_9, %get3A_10] : memref<1x40xf32, #tpu.memory_space<vmem>>, vector<1x40xf32>
    %add3A_12 = vector.broadcast %get3A_11 : vector<1x40xf32> to vector<10000x40xf32>
    %add3A_13 = arith.addf %add3A, %add3A_12 : vector<10000x40xf32>
    %reduce_max3A = arith.constant dense<0xFF800000> : vector<10000xf32>
    %reduce_max3A_14 = vector.multi_reduction <maximumf>, %add3A_13, %reduce_max3A [1] : vector<10000x40xf32> to vector<10000xf32>
    %broadcast_in_dim3A = vector.shape_cast %reduce_max3A_14 : vector<10000xf32> to vector<10000x1xf32>
    %sub3A = vector.broadcast %broadcast_in_dim3A : vector<10000x1xf32> to vector<10000x40xf32>
    %sub3A_15 = arith.subf %add3A_13, %sub3A : vector<10000x40xf32>
    %exp3A = math.exp %sub3A_15 : vector<10000x40xf32>
    %reduce_sum3A = arith.constant dense<0.000000e+00> : vector<10000xf32>
    %reduce_sum3A_16 = vector.multi_reduction <add>, %exp3A, %reduce_sum3A [1] : vector<10000x40xf32> to vector<10000xf32>
    %broadcast_in_dim3A_17 = vector.shape_cast %reduce_sum3A_16 : vector<10000xf32> to vector<10000x1xf32>
    %div3A = vector.broadcast %broadcast_in_dim3A_17 : vector<10000x1xf32> to vector<10000x40xf32>
    %div3A_18 = arith.divf %exp3A, %div3A : vector<10000x40xf32>
    %swap3A = arith.constant 0 : index
    %swap3A_19 = arith.constant 0 : index
    %swap3A_20 = vector.load %arg2[%swap3A, %swap3A_19] : memref<10000x40xf32, #tpu.memory_space<vmem>>, vector<10000x40xf32>
    tpu.vector_store %arg2[%swap3A, %swap3A_19], %div3A_18 {strides = array<i32>} : memref<10000x40xf32, #tpu.memory_space<vmem>>, vector<10000x40xf32>,
    return
  }
}

</mosaic_0001>

<sc_bundles>
// kernel: kernel.10.cloned.1.call-start
scs
__scs_entry_jumppad:
0x0: {  	(pc) =	sbr.rel $0x88, $3  }
0x1: {  	(tag) =	ssettag $0x0;
	lr =	simm.s32 $0x1  }
0x2: {  	[smem:$0x3F9B] =	sst lr;
	_ =	strace $0xD0000000  }
0x3: {  	_ = 	snop  }
0x4: {  	_ = 	snop  }
0x5: {  	_ = 	snop  }
0x6: {  	_ = 	snop  }
0x7: {  	_ = 	snop  }
__scs_overlays_trampoline_lowered:
0x8: {  	[smem:$0x3FAA] =	sst s0  }
0x9: {  	[smem:$0x3FAB] =	sst s1  }
0xa: {  	[smem:$0x3FAC] =	sst s2  }
0xb: {  	[smem:$0x3FAD] =	sst s3  }
0xc: {  	[smem:$0x3FAE] =	sst s4  }
0xd: {  	[smem:$0x3FAF] =	sst s5  }
0xe: {  	[smem:$0x3FB0] =	sst s6  }
0xf: {  	[smem:$0x3FB1] =	sst s7  }
0x10: {  	[smem:$0x3FB2] =	sst s8  }
0x11: {  	[smem:$0x3FB3] =	sst s9;
	s0 =	simm.s32 @!p0 $0x0  }
0x12: {  	s1 =	sld [smem:$0x3F99];
	s0 =	simm.s32 @p0 $0x1  }
0x13: {  	[smem:$0x3FB4] =	sst s0;
	s0 =	simm.s32 @!p1 $0x0  }
0x14: {  	s2 =	sld [smem:$0x3F98];
	s0 =	simm.s32 @p1 $0x1  }
0x15: {  	[smem:$0x3FB5] =	sst s0;
	s0 =	simm.s32 @!p2 $0x0  }
0x16: {  	s3 =	sld [smem:$0x3FDB];
	s0 =	simm.s32 @p2 $0x1  }
0x17: {  	s4 =	simm.s32 $0x1BF5;
	[smem:$0x3FB7] =	sst s0  }
0x18: {  	s0 =	sld [smem:$0x3F9A];
	_ =	swait.ge [sflag:s4], $0x0  }
0x19: {  	s7 =	sld [smem:$0x3F9B]  }
0x1a: {  	s8 =	sadd.s32 $0xFFFFE003, lr  }
0x1b: {  	s9 =	sadd.s32 $0xFFFFFEF7, lr;
	s5 =	simm.s32 $0xFFFFFFFF;
	p2 =	slt.u32 s8, $0xFFFFF086  }
0x1c: {  	p1 =	slt.u32 s9, $0xF7A;
	s5 =	simm.s32 @!p2 $0x0  }
0x1d: {  	s5 =	simm.s32 @p1 $0x1;
	p0 =	seq.s32 s7, s2  }
0x1e: {  	s7 =	smul.u32 @!p0 $0xF7A, s2;
	p2 =	seq.s32 @!p0 s5, $0x0  }
0x1f: {  	s9 =	smul.u32 $0xF7A, s1;
	s8 =	simm.s32 @!p0 $0x1BF5;
	p2 =	por !p2, p0  }
0x20: {  	[sflag:s8] =	ssyncset.s32 @!p0 $0xFFFFF086;
	s6 =	sadd.s32 @!p0 s3, s7;
	s7 =	simm.s32 @!p0 $0x108  }
0x21: {  	s3 =	sadd.s32 s3, s9;
	s6 =	sadd.s32 @!p0 $0x88, s6;
	s7 =	simm.s32 @p2 $0x1082  }
0x22: {  	[simem:s7], [sflag:s8] =	dma.local @!p0 [hbm:s6], $0xF7A  }
0x23: {  	s9 =	sor.u32 $0xD0000000, s2;
	s6 =	simm.s32 $0x108;
	_ =	swait.ge @!p0 [sflag:s8], $0x0  }
0x24: {  	s3 =	sadd.s32 $0x88, s3;
	s6 =	simm.s32 @!p1 $0x1082;
	[sflag:s4] =	ssyncset.s32 $0xFFFFF086  }
0x25: {  	[simem:s6], [sflag:s4] =	dma.local [hbm:s3], $0xF7A  }
0x26: {  	[smem:$0x3F9B] =	sst s1;
	(tag) =	ssettag s2;
	_ =	strace s9  }
0x27: {  	s1 =	sld [smem:$0x3FAB]  }
0x28: {  	s2 =	sld [smem:$0x3FAC]  }
0x29: {  	s4 =	sld [smem:$0x3FAE]  }
0x2a: {  	p0 =	seq.s32 s5, $0x0;
	s5 =	sld [smem:$0x3FAF]  }
0x2b: {  	s6 =	sld [smem:$0x3FB0]  }
0x2c: {  	s7 =	sld [smem:$0x3FB1]  }
0x2d: {  	s3 =	simm.s32 $0x108;
	s8 =	sld [smem:$0x3FB2]  }
0x2e: {  	s3 =	simm.s32 @!p0 $0x1082;
	s9 =	sld [smem:$0x3FB3]  }
0x2f: {  	lr =	sadd.s32 s0, s3;
	s0 =	sld [smem:$0x3FAA]  }
0x30: {  	s3 =	sld [smem:$0x3FAD]  }
0x31: {  	[smem:$0x3FB6] =	sst s10  }
0x32: {  	s10 =	sld [smem:$0x3FB4];
	_ =	sdelay $0x3  }
0x33: {  	p0 =	seq.s32 s10, $0x1;
	s10 =	sld [smem:$0x3FB6];
	_ =	sdelay $0x3  }
0x34: {  	[smem:$0x3FB6] =	sst s10  }
0x35: {  	s10 =	sld [smem:$0x3FB5];
	_ =	sdelay $0x3  }
0x36: {  	p1 =	seq.s32 s10, $0x1;
	s10 =	sld [smem:$0x3FB6];
	_ =	sdelay $0x3  }
0x37: {  	[smem:$0x3FB6] =	sst s10  }
0x38: {  	s10 =	sld [smem:$0x3FB7]  }
0x39: {  	_ = 	snop;
	(pc) =	sbr.ind lr, $3  }
0x3a: {  	_ = 	snop  }
0x3b: {  	_ = 	snop  }
0x3c: {  	p2 =	seq.s32 s10, $0x1;
	s10 =	sld [smem:$0x3FB6]  }
0x3d: {  	_ =	shalt  }
0x3e: {  	_ =	shalt  }
0x3f: {  	_ =	shalt  }
0x40: {  	_ =	shalt  }
0x41: {  	_ =	shalt  }
0x42: {  	_ =	shalt  }
0x43: {  	_ =	shalt  }
0x44: {  	_ =	shalt  }
0x45: {  	_ =	shalt  }
0x46: {  	_ =	shalt  }
0x47: {  	_ =	shalt  }
0x48: {  	_ =	shalt  }
0x49: {  	_ =	shalt  }
0x4a: {  	_ =	shalt  }
0x4b: {  	_ =	shalt  }
0x4c: {  	_ =	shalt  }
0x4d: {  	_ =	shalt  }
0x4e: {  	_ =	shalt  }
0x4f: {  	_ =	shalt  }
0x50: {  	_ =	shalt  }
0x51: {  	_ =	shalt  }
0x52: {  	_ =	shalt  }
0x53: {  	_ =	shalt  }
0x54: {  	_ =	shalt  }
0x55: {  	_ =	shalt  }
0x56: {  	_ =	shalt  }
0x57: {  	_ =	shalt  }
0x58: {  	_ =	shalt  }
0x59: {  	_ =	shalt  }
0x5a: {  	_ =	shalt  }
0x5b: {  	_ =	shalt  }
0x5c: {  	_ =	shalt  }
0x5d: {  	_ =	shalt  }
0x5e: {  	_ =	shalt  }
0x5f: {  	_ =	shalt  }
0x60: {  	_ =	shalt  }
0x61: {  	_ =	shalt  }
0x62: {  	_ =	shalt  }
0x63: {  	_ =	shalt  }
0x64: {  	_ =	shalt  }
0x65: {  	_ =	shalt  }
0x66: {  	_ =	shalt  }
0x67: {  	_ =	shalt  }
0x68: {  	_ =	shalt  }
0x69: {  	_ =	shalt  }
0x6a: {  	_ =	shalt  }
0x6b: {  	_ =	shalt  }
0x6c: {  	_ =	shalt  }
0x6d: {  	_ =	shalt  }
0x6e: {  	_ =	shalt  }
0x6f: {  	_ =	shalt  }
0x70: {  	_ =	shalt  }
0x71: {  	_ =	shalt  }
0x72: {  	_ =	shalt  }
0x73: {  	_ =	shalt  }
0x74: {  	_ =	shalt  }
0x75: {  	_ =	shalt  }
0x76: {  	_ =	shalt  }
0x77: {  	_ =	shalt  }
0x78: {  	_ =	shalt  }
0x79: {  	_ =	shalt  }
0x7a: {  	_ =	shalt  }
0x7b: {  	_ =	shalt  }
0x7c: {  	_ =	shalt  }
0x7d: {  	_ =	shalt  }
0x7e: {  	_ =	shalt  }
0x7f: {  	_ =	shalt  }
0x80: {  	_ =	shalt  }
0x81: {  	_ =	shalt  }
0x82: {  	_ =	shalt  }
0x83: {  	_ =	shalt  }
0x84: {  	_ =	shalt  }
0x85: {  	_ =	shalt  }
0x86: {  	_ =	shalt  }
0x87: {  	_ =	shalt  }
.Lfunc_end0:
.L_simem_size_0:
called_computation.1_lowered:
.L_overlay_start_0:
0x88: {  	s2 =	sld [smem:$0x3FD9]  }
0x89: {  	s3 =	sld [smem:$0x3FFE];
	_ =	sdelay $0x1  }
0x8a: {  	s1 =	srdreg.scid  }
0x8b: {  	s0 =	sand.u32 $0x1, s1  }
0x8c: {  	s17 =	sshll.u32 s0, $0xA;
	s2 =	sadd.s32 s3, s2  }
0x8d: {  	s2 =	sadd.s32 s2, s17  }
0x8e: {  	[smem:$0x3FC2] =	sst s2  }
0x8f: {  	_ = 	snop  }
0x90: {  	s2 =	sld [smem:$0x3FD0];
	(tm) =	ssettm $0x1  }
0x91: {  	s18 =	sld [smem:$0x3FFB];
	_ =	sdelay $0x3  }
0x92: {  	_ =	strace s18  }
0x93: {  	s3 =	sld [smem:$0x3FFC];
	_ =	sdelay $0x3  }
0x94: {  	_ =	strace s3  }
0x95: {  	s3 =	sld [smem:$0x3FFD];
	_ =	sdelay $0x3  }
0x96: {  	_ =	strace s3  }
0x97: {  	_ =	strace $0x8FFFFFFF  }
0x98: {  	s19 =	sld [smem:$0x3FDB];
	_ =	sdelay $0x1  }
0x99: {  	s4 =	simm.s32 $_scs_section_size  }
0x9a: {  	s5 =	simm.s32 $_size__tile_overlayer_lowered;
	s6 =	simm.s32 $_tile_overlayer_lowered  }
0x9b: {  	s22 =	simm.s32 $0x1BFF;
	s21 =	sshll.u32 s6, $0x1;
	s3 =	sadd.s32 s4, s19  }
0x9c: {  	s7 =	simm.s32 $0x0;
	s20 =	sshll.u32 s5, $0x1;
	s5 =	sadd.s32 s21, s3  }
0x9d: {  	[timem:s7], [sflag:s22] =	dma.local [hbm:s5], s20  }
0x9e: {  	_ =	swait.ge [sflag:s22], s20  }
0x9f: {  	s4 =	ssub.s32 $0x0, s20;
	[sflag:s22] =	ssyncset.done $0x0  }
0xa0: {  	[sflag:s22] =	ssyncadd.s32 s4;
	_ =	sdelay $0x1  }
0xa1: {  	s23 =	simm.s32 $0x1B8B  }
0xa2: {  	_ =	swait.ge [sflag:s23], $0x1  }
0xa3: {  	[sflag:s23] =	ssyncset.done $0x0  }
0xa4: {  	s25 =	simm.s32 $0x1B8E;
	s24 =	sld [smem:$0x3FFE];
	[sflag:s23] =	ssyncadd.s32 $0xFFFFFFFF  }
0xa5: {  	s26 =	simm.s32 $execute0_lowered;
	[smem:$0x3FD2] =	sst s25  }
0xa6: {  	s5 =	sshll.u32 s26, $0x1;
	_ =	strace $0x80000049;
	[dreg:$0x1] =	wrdreg $0xFFFFFFFF  }
0xa7: {  	s28 =	simm.s32 $_size_execute0_lowered;
	s3 =	sadd.s32 s3, s5;
	[dreg:$0x0] =	wrdreg $0x0  }
0xa8: {  	s5 =	sshll.u32 s28, $0x1;
	[dreg:$0x2] =	wrdreg s3  }
0xa9: {  	[dreg:$0x3] =	wrdreg s5  }
0xaa: {  	[dreg:$0x4] =	wrdreg $0xC0  }
0xab: {  	_ =	task [dreg:s7], $0x5FFFF  }
0xac: {  	[dreg:$0x1] =	wrdreg $0xFFFFFFFF  }
0xad: {  	[dreg:$0x0] =	wrdreg $0x60  }
0xae: {  	[dreg:$0x2] =	wrdreg s24  }
0xaf: {  	[dreg:$0x3] =	wrdreg s2  }
0xb0: {  	[dreg:$0x4] =	wrdreg $0xC6200  }
0xb1: {  	[dreg:$0x5] =	wrdreg $0x12A200  }
0xb2: {  	[dreg:$0x6] =	wrdreg $0x9  }
0xb3: {  	_ =	task.clear_ibuf [dreg:s7], $0x7FFFF;
	_ =	strace $0x90000049  }
0xb4: {  	s29 =	simm.s32 $0x9;
	_ =	strace $0x8000004B  }
0xb5: {  	_ =	swait.ge [sflag:s29], $0x1  }
0xb6: {  	[sflag:s29] =	ssyncadd.s32 $0xFFFFFFFF  }
0xb7: {  	_ =	strace $0x9000004B  }
0xb8: {  	_ =	sfence  }
0xb9: {  	s30 =	sld [smem:$0x0];
	_ =	sdelay $0x2  }
0xba: {  	s31 =	sshll.u32 s1, $0xD;
	s1 =	sshrl.u32 s1, $0x2  }
0xbb: {  	s3 =	sand.u32 $0x4000, s31;
	s1 =	sadd.s32 s1, s30  }
0xbc: {  	s0 =	sor.u32 s3, s0;
	s1 =	sshll.u32 s1, $0x11  }
0xbd: {  	s0 =	sor.u32 s1, s0  }
0xbe: {  	s0 =	sadd.s32 $0x8F2B, s0  }
0xbf: {  	[sflag:s0] =	ssyncadd.remote.s32 $0x1  }
0xc0: {  	_ =	sfence.sel $0xFFFF  }
0xc1: {  	[dreg:$0x0] =	wrdreg $0xFFFFFFFF;
	(pc) =	sbr.abs _section_cstart, $3  }
0xc2: {  	[dreg:$0x1] =	wrdreg $0xFFFFFFFF  }
0xc3: {  	_ =	task.clear_ibuf [dreg:s7], $0x2FFFF;
	_ =	strace $0x9FFFFFFF  }
0xc4: {  	(tm) =	ssettm $0x7FFFFFFF  }
0xc5: {  	_ =	shalt  }
tec
execute0_lowered:
.L_overlay_start_1:
0x0: {  	(tag) =	ssettag $0x1  }
0x1: {  	s1 =	rddreg [dreg:$0x0]  }
0x2: {  	s0 =	srdreg.scid;
	s3 =	rddreg [dreg:$0x2]  }
0x3: {  	s10 =	stileid.u32;
	s4 =	rddreg [dreg:$0x3];
	s5 =	simm.s32 $0x0  }
0x4: {  	s13 =	simm.s32 $0x7;
	s16 =	simm.s32 $0x80;
	s17 =	simm.s32 $0x4E20  }
0x5: {  	s20 =	simm.s32 $0x7620;
	s28 =	simm.s32 $0x1;
	s29 =	simm.s32 $0x3  }
0x6: {  	s30 =	simm.s32 $0x5;
	s31 =	simm.s32 $0x6;
	s15 =	simm.s32 $0x0  }
0x7: {  	s0 =	sand.u32 $0x1, s0;
	s6 =	smul.u32 $0x6400, s10;
	[smem:$0x7FF] =	sst s5  }
0x8: {  	s8 =	smul.u32 $0x61A8, s10;
	s24 =	sshll.u32 s10, $0x6;
	s2 =	sshll.u32 s0, $0x4  }
0x9: {  	s7 =	smul.u32 $0x64000, s0;
	_ =	strace $0x8000004A;
	s0 =	ssub.s32 $0x2, s0  }
0xa: {  	s2 =	sor.u32 s10, s2;
	s9 =	sshrl.u32 s8, $0x3;
	s23 =	sshrl.u32 s0, $0x1  }
0xb: {  	s12 =	sadd.s32 s6, s3;
	s14 =	sadd.s32 s8, s4;
	s2 =	smul.u32 $0x2710, s2  }
0xc: {  	s7 =	sadd.s32 s6, s7;
	s9 =	sadd.s32 s9, s1;
	s0 =	ssub.s32 s0, s23  }
0xd: {  	s6 =	sor.u32 $0x1C07, s24;
	s12 =	sshrl.u32 s12, $0x3;
	s14 =	sshrl.u32 s14, $0x3  }
.Ltmp0:
0xe: {  	s24 =	simm.s32 $0x9E20;
	s7 =	sshrl.u32 s7, $0x3;
	(pc) =	sbr.rel .LBB2_1-.Ltmp0, $4  }
0xf: {  	s25 =	sadd.s32 $0x14C00, s9;
	s11 =	smax.u32 s0, $0x1;
	s2 =	sshrl.u32 s2, $0x3  }
0x10: {  	[dreg:$0x5] =	wrdreg s25;
	s2 =	sadd.s32 s2, s1;
	s1 =	sadd.s32 s7, s1  }
0x11: {  	s26 =	sadd.s32 $0x1200, s2;
	s9 =	sadd.s32 $0xAE40, s2;
	s10 =	sadd.s32 $0x21400, s1  }
0x12: {  	s1 =	simm.s32 $0x10;
	[dreg:$0x6] =	wrdreg s26;
	s26 =	simm.s32 $0xB220  }
.LBB2_4:
0x13: {  	_ =	swait.ge [sflag:s31], $0x1400  }
0x14: {  	[sflag:s31] =	ssyncset.done $0x0  }
0x15: {  	[sflag:s31] =	ssyncadd.s32 $0xFFFFEC00  }
0x16: {  	[spmem:s3] =	stream.indirect.scatter.add.f32 [tilespmem:s26], [sflag:$0x7], $0x28, s21, s16, $0xb8;
	[tilespmem:$0x18BC8] =	vst v63  }
0x17: {  	_ =	swait.ge [sflag:s13], $0x1400  }
0x18: {  	[sflag:s13] =	ssyncset.done $0x0  }
0x19: {  	s0 =	simm.s32 $0x2700;
	[sflag:s13] =	ssyncadd.s32 $0xFFFFEC00  }
0x1a: {  	[tilespmem:s17], [sflag:$0x1] =	stream.indirect.gather [spmem:s4], $0x28, s0, s1, $0xb8;
	[tilespmem:$0x18BC8] =	vst v63  }
0x1b: {  	_ =	swait.ge [sflag:s28], $0x280  }
0x1c: {  	[sflag:s28] =	ssyncset.done $0x0  }
0x1d: {  	s25 =	simm.s32 $0x4E10;
	[sflag:s28] =	ssyncadd.s32 $0xFFFFFD80  }
0x1e: {  	[spmem:s3] =	stream.indirect.scatter.add.f32 [tilespmem:s17], [sflag:$0x7], $0x28, s25, s1, $0xb8;
	[tilespmem:$0x18BC8] =	vst v63  }
0x1f: {  	_ =	swait.ge [sflag:s13], $0x280  }
0x20: {  	s15 =	sadd.s32 $0x1, s15;
	[sflag:s13] =	ssyncset.done $0x0  }
0x21: {  	p0 =	sne.s32 s15, s11;
	[sflag:s13] =	ssyncadd.s32 $0xFFFFFD80  }
.Ltmp1:
0x22: {  	[bflag:$0x0] =	sbarrier.arrive $0xFFFF;
	(pc) =	sbr.rel @!p0 .LBB2_5-.Ltmp1, $4  }
0x23: {  	[hbm:s10], [sflag:s6] =	dma.local [spmem:s12], $0xC80  }
0x24: {  	_ =	swait.ge [sflag:s13], $0xC80  }
0x25: {  	[sflag:s13] =	ssyncset.done $0x0  }
0x26: {  	[sflag:s13] =	ssyncadd.s32 $0xFFFFF380  }
.LBB2_1:
0x27: {  	s0 =	rddreg [dreg:$0x1]  }
0x28: {  	[spmem:s12], [sflag:s6] =	dma.local [hbm:s0], $0xC80  }
0x29: {  	_ =	swait.ge [sflag:s13], $0xC80  }
0x2a: {  	[sflag:s13] =	ssyncset.done $0x0  }
0x2b: {  	s7 =	rddreg [dreg:$0x5];
	[sflag:s13] =	ssyncadd.s32 $0xFFFFF380  }
0x2c: {  	[spmem:s14], [sflag:s6] =	dma.local [hbm:s7], $0xC35  }
0x2d: {  	_ =	swait.ge [sflag:s13], $0xC35  }
0x2e: {  	[sflag:s13] =	ssyncset.done $0x0  }
0x2f: {  	s8 =	rddreg [dreg:$0x6];
	[sflag:s13] =	ssyncadd.s32 $0xFFFFF3CB  }
0x30: {  	[tilespmem:s5], [sflag:$0x7] =	stream.linear.gather [hbm4b:s8+s5], $0x2710, $0x38;
	[tilespmem:$0x18BC8] =	vst v63  }
0x31: {  	_ =	swait.ge [sflag:s13], $0x2710  }
0x32: {  	[sflag:s13] =	ssyncset.done $0x0  }
0x33: {  	s18 =	simm.s32 $0x2710;
	[sflag:s13] =	ssyncadd.s32 $0xFFFFD8F0  }
0x34: {  	[tilespmem:s18], [sflag:$0x7] =	stream.linear.gather [hbm4b:s9+s5], $0x2710, $0x38;
	[tilespmem:$0x18BC8] =	vst v63  }
0x35: {  	_ =	swait.ge [sflag:s13], $0x2710  }
0x36: {  	[sflag:s13] =	ssyncset.done $0x0  }
0x37: {  	[sflag:s13] =	ssyncadd.s32 $0xFFFFD8F0  }
0x38: {  	[bflag:$0x0] =	sbarrier.arrive $0xFFFF  }
0x39: {  	[tilespmem:s17], [sflag:$0x1] =	stream.indirect.gather [spmem:s4], $0x28, s5, s16, $0xb8;
	[tilespmem:$0x18BC8] =	vst v63  }
0x3a: {  	s19 =	simm.s32 $0x6220  }
0x3b: {  	[tilespmem:s19], [sflag:$0x2] =	stream.indirect.gather [spmem:s4], $0x28, s16, s16, $0xb8;
	[tilespmem:$0x18BC8] =	vst v63  }
0x3c: {  	s21 =	simm.s32 $0x100  }
0x3d: {  	[tilespmem:s20], [sflag:$0x3] =	stream.indirect.gather [spmem:s4], $0x28, s21, s16, $0xb8;
	[tilespmem:$0x18BC8] =	vst v63  }
0x3e: {  	s22 =	simm.s32 $0x180;
	s2 =	simm.s32 $0x8A20  }
0x3f: {  	[tilespmem:s2], [sflag:$0x4] =	stream.indirect.gather [spmem:s4], $0x28, s22, s16, $0xb8;
	[tilespmem:$0x18BC8] =	vst v63  }
0x40: {  	s23 =	simm.s32 $0x200  }
0x41: {  	[tilespmem:s24], [sflag:$0x5] =	stream.indirect.gather [spmem:s4], $0x28, s23, s16, $0xb8;
	[tilespmem:$0x18BC8] =	vst v63  }
0x42: {  	s25 =	simm.s32 $0x280;
	s18 =	simm.s32 $0x0  }
0x43: {  	[tilespmem:s26], [sflag:$0x6] =	stream.indirect.gather [spmem:s4], $0x28, s25, s16, $0xb8;
	[tilespmem:$0x18BC8] =	vst v63  }
.LBB2_2:
0x44: {  	_ =	swait.ge [sflag:s28], $0x1400  }
0x45: {  	s19 =	sshra.s32 s18, $0x2;
	[sflag:s28] =	ssyncset.done $0x0  }
0x46: {  	s21 =	sadd.s32 $0x2710, s19;
	[sflag:s28] =	ssyncadd.s32 $0xFFFFEC00  }
0x47: {  	[spmem:s3] =	stream.indirect.scatter.add.f32 [tilespmem:s17], [sflag:$0x7], $0x28, s21, s16, $0xb8;
	[tilespmem:$0x18BC8] =	vst v63  }
0x48: {  	_ =	swait.ge [sflag:s13], $0x1400  }
0x49: {  	p0 =	seq.s32 s18, $0x9000;
	[sflag:s13] =	ssyncset.done $0x0  }
0x4a: {  	s21 =	simm.s32 @p0 $0x2;
	[sflag:s13] =	ssyncadd.s32 $0xFFFFEC00  }
0x4b: {  	_ =	swait.ge @p0 [sflag:s21], $0x1400  }
0x4c: {  	[sflag:s21] =	ssyncset.done @p0 $0x0  }
0x4d: {  	[sflag:s21] =	ssyncadd.s32 @p0 $0xFFFFEC00;
	s21 =	sshra.s32 @p0 s18, $0x2  }
0x4e: {  	s23 =	simm.s32 @p0 $0x80;
	s25 =	simm.s32 @p0 $0x6220;
	s22 =	sadd.s32 @p0 $0x2790, s21  }
0x4f: {  	[spmem:s3] =	stream.indirect.scatter.add.f32 @p0 [tilespmem:s25], [sflag:$0x7], $0x28, s22, s23, $0xb8;
	[tilespmem:$0x18BC8] =	vst v63  }
0x50: {  	s22 =	simm.s32 @p0 $0x7  }
0x51: {  	_ =	swait.ge @p0 [sflag:s22], $0x1400  }
0x52: {  	s2 =	simm.s32 @!p0 $0x80;
	s25 =	sshra.s32 @!p0 s18, $0x2;
	[sflag:s22] =	ssyncset.done @p0 $0x0  }
0x53: {  	s7 =	simm.s32 @!p0 $0x4E20;
	s0 =	sadd.s32 @!p0 $0x300, s25;
	[sflag:s22] =	ssyncadd.s32 @p0 $0xFFFFEC00  }
0x54: {  	[tilespmem:s7], [sflag:$0x1] =	stream.indirect.gather @!p0 [spmem:s4], $0x28, s0, s2, $0xb8;
	[tilespmem:$0x18BC8] =	vst v63  }
0x55: {  	s0 =	simm.s32 @!p0 $0x2  }
0x56: {  	_ =	swait.ge @!p0 [sflag:s0], $0x1400  }
0x57: {  	[sflag:s0] =	ssyncset.done @!p0 $0x0  }
0x58: {  	s7 =	simm.s32 @!p0 $0x6220;
	[sflag:s0] =	ssyncadd.s32 @!p0 $0xFFFFEC00;
	s0 =	sadd.s32 @!p0 $0x2790, s25  }
0x59: {  	[spmem:s3] =	stream.indirect.scatter.add.f32 @!p0 [tilespmem:s7], [sflag:$0x7], $0x28, s0, s2, $0xb8;
	[tilespmem:$0x18BC8] =	vst v63  }
0x5a: {  	s0 =	simm.s32 @!p0 $0x7  }
0x5b: {  	_ =	swait.ge @!p0 [sflag:s0], $0x1400  }
0x5c: {  	[sflag:s0] =	ssyncset.done @!p0 $0x0  }
0x5d: {  	s8 =	sadd.s32 @!p0 $0x380, s25;
	[sflag:s0] =	ssyncadd.s32 @!p0 $0xFFFFEC00  }
0x5e: {  	[tilespmem:s7], [sflag:$0x2] =	stream.indirect.gather @!p0 [spmem:s4], $0x28, s8, s2, $0xb8;
	[tilespmem:$0x18BC8] =	vst v63  }
0x5f: {  	_ =	swait.ge [sflag:s29], $0x1400  }
0x60: {  	[sflag:s29] =	ssyncset.done $0x0  }
0x61: {  	s8 =	sadd.s32 $0x2810, s19;
	[sflag:s29] =	ssyncadd.s32 $0xFFFFEC00  }
0x62: {  	[spmem:s3] =	stream.indirect.scatter.add.f32 [tilespmem:s20], [sflag:$0x7], $0x28, s8, s16, $0xb8;
	[tilespmem:$0x18BC8] =	vst v63  }
0x63: {  	_ =	swait.ge [sflag:s13], $0x1400  }
0x64: {  	[sflag:s13] =	ssyncset.done $0x0  }
0x65: {  	s7 =	simm.s32 @p0 $0x4;
	[sflag:s13] =	ssyncadd.s32 $0xFFFFEC00  }
0x66: {  	_ =	swait.ge @p0 [sflag:s7], $0x1400  }
0x67: {  	[sflag:s7] =	ssyncset.done @p0 $0x0  }
0x68: {  	s8 =	simm.s32 @p0 $0x8A20;
	[sflag:s7] =	ssyncadd.s32 @p0 $0xFFFFEC00;
	s7 =	sadd.s32 @p0 $0x2890, s21  }
0x69: {  	[spmem:s3] =	stream.indirect.scatter.add.f32 @p0 [tilespmem:s8], [sflag:$0x7], $0x28, s7, s23, $0xb8;
	[tilespmem:$0x18BC8] =	vst v63  }
0x6a: {  	_ =	swait.ge @p0 [sflag:s22], $0x1400  }
0x6b: {  	[sflag:s22] =	ssyncset.done @p0 $0x0  }
0x6c: {  	s7 =	sadd.s32 @!p0 $0x400, s25;
	s8 =	simm.s32 @!p0 $0x7620;
	[sflag:s22] =	ssyncadd.s32 @p0 $0xFFFFEC00  }
0x6d: {  	[tilespmem:s8], [sflag:$0x3] =	stream.indirect.gather @!p0 [spmem:s4], $0x28, s7, s2, $0xb8;
	[tilespmem:$0x18BC8] =	vst v63  }
0x6e: {  	s7 =	simm.s32 @!p0 $0x4  }
0x6f: {  	_ =	swait.ge @!p0 [sflag:s7], $0x1400  }
0x70: {  	[sflag:s7] =	ssyncset.done @!p0 $0x0  }
0x71: {  	s8 =	simm.s32 @!p0 $0x8A20;
	[sflag:s7] =	ssyncadd.s32 @!p0 $0xFFFFEC00;
	s7 =	sadd.s32 @!p0 $0x2890, s25  }
0x72: {  	[spmem:s3] =	stream.indirect.scatter.add.f32 @!p0 [tilespmem:s8], [sflag:$0x7], $0x28, s7, s2, $0xb8;
	[tilespmem:$0x18BC8] =	vst v63  }
0x73: {  	_ =	swait.ge @!p0 [sflag:s0], $0x1400  }
0x74: {  	[sflag:s0] =	ssyncset.done @!p0 $0x0  }
0x75: {  	[sflag:s0] =	ssyncadd.s32 @!p0 $0xFFFFEC00;
	s0 =	sadd.s32 @!p0 $0x480, s25  }
0x76: {  	[tilespmem:s8], [sflag:$0x4] =	stream.indirect.gather @!p0 [spmem:s4], $0x28, s0, s2, $0xb8;
	[tilespmem:$0x18BC8] =	vst v63  }
0x77: {  	_ =	swait.ge [sflag:s30], $0x1400  }
0x78: {  	[sflag:s30] =	ssyncset.done $0x0  }
.Ltmp2:
0x79: {  	s25 =	sadd.s32 $0x2910, s19;
	[sflag:s30] =	ssyncadd.s32 $0xFFFFEC00;
	(pc) =	sbr.rel @p0 .LBB2_4-.Ltmp2, $4  }
0x7a: {  	[spmem:s3] =	stream.indirect.scatter.add.f32 [tilespmem:s24], [sflag:$0x7], $0x28, s25, s16, $0xb8;
	[tilespmem:$0x18BC8] =	vst v63  }
0x7b: {  	_ =	swait.ge [sflag:s13], $0x1400  }
0x7c: {  	[sflag:s13] =	ssyncset.done $0x0  }
0x7d: {  	s21 =	sadd.s32 $0x2990, s19;
	[sflag:s13] =	ssyncadd.s32 $0xFFFFEC00  }
0x7e: {  	s0 =	sadd.s32 $0x500, s19  }
0x7f: {  	[tilespmem:s24], [sflag:$0x5] =	stream.indirect.gather [spmem:s4], $0x28, s0, s16, $0xb8;
	[tilespmem:$0x18BC8] =	vst v63  }
0x80: {  	_ =	swait.ge [sflag:s31], $0x1400  }
0x81: {  	[sflag:s31] =	ssyncset.done $0x0  }
0x82: {  	[sflag:s31] =	ssyncadd.s32 $0xFFFFEC00  }
0x83: {  	[spmem:s3] =	stream.indirect.scatter.add.f32 [tilespmem:s26], [sflag:$0x7], $0x28, s21, s16, $0xb8;
	[tilespmem:$0x18BC8] =	vst v63  }
.Ltmp3:
0x84: {  	_ = 	snop;
	(pc) =	sbr.rel .LBB2_2-.Ltmp3, $4  }
0x85: {  	_ =	swait.ge [sflag:s13], $0x1400  }
0x86: {  	[sflag:s13] =	ssyncset.done $0x0  }
0x87: {  	s25 =	sadd.s32 $0x580, s19;
	s18 =	sadd.s32 $0xC00, s18;
	[sflag:s13] =	ssyncadd.s32 $0xFFFFEC00  }
0x88: {  	[tilespmem:s26], [sflag:$0x6] =	stream.indirect.gather [spmem:s4], $0x28, s25, s16, $0xb8;
	[tilespmem:$0x18BC8] =	vst v63  }
.LBB2_5:
0x89: {  	_ =	sfence.sel $0x180000  }
0x8a: {  	[bflag:$0x0] =	sbarrier.arrive $0xFFFF  }
0x8b: {  	_ =	strace $0x9000004A  }
0x8c: {  	s0 =	stileid.u32;
	[bflag:$0x2] =	sbarrier.arrive $0xFFFF  }
0x8d: {  	p0 =	sne.s32 s0, $0x0;
	s0 =	rddreg [dreg:$0x4]  }
0x8e: {  	s0 =	sadd.s32 @!p0 $0x100000, s0  }
0x8f: {  	[sflag:s0] =	ssyncadd.tile.s32 @!p0 $0x1;
	_ =	shalt  }
.Lfunc_end2:
_tile_overlayer_lowered:
.L_overlay_start_2:
0x90: {  	(tag) =	ssettag $0x2  }
0x91: {  	s0 =	rddreg [dreg:$0x0];
	s2 =	stileid.u32  }
0x92: {  	s1 =	rddreg [dreg:$0x1];
	p0 =	sne.s32 s2, $0x0  }
0x93: {  	s3 =	rddreg [dreg:$0x2];
	[bflag:$0x3] =	sbarrier.arrive $0xFFFF;
	s2 =	simm.s32 @!p0 $0x1C07  }
0x94: {  	[timem:s3], [sflag:s2] =	dma.local @!p0 [hbm:s0], s1  }
0x95: {  	s0 =	simm.s32 @!p0 $0x7  }
0x96: {  	_ =	swait.ge @!p0 [sflag:s0], s1  }
0x97: {  	s1 =	ssub.s32 @!p0 $0x0, s1;
	[sflag:s0] =	ssyncset.done @!p0 $0x0  }
0x98: {  	[sflag:s0] =	ssyncadd.s32 @!p0 s1  }
0x99: {  	[bflag:$0x3] =	sbarrier.arrive $0xFFFF  }
0x9a: {  	_ =	shalt  }

// kernel: kernel.7.cloned.1.call-start
scs
__scs_entry_jumppad:
0x0: {  	(pc) =	sbr.rel $0x88, $3  }
0x1: {  	(tag) =	ssettag $0x0;
	lr =	simm.s32 $0x1  }
0x2: {  	[smem:$0x3F9B] =	sst lr;
	_ =	strace $0xD0000000  }
0x3: {  	_ = 	snop  }
0x4: {  	_ = 	snop  }
0x5: {  	_ = 	snop  }
0x6: {  	_ = 	snop  }
0x7: {  	_ = 	snop  }
__scs_overlays_trampoline_lowered:
0x8: {  	[smem:$0x3FAA] =	sst s0  }
0x9: {  	[smem:$0x3FAB] =	sst s1  }
0xa: {  	[smem:$0x3FAC] =	sst s2  }
0xb: {  	[smem:$0x3FAD] =	sst s3  }
0xc: {  	[smem:$0x3FAE] =	sst s4  }
0xd: {  	[smem:$0x3FAF] =	sst s5  }
0xe: {  	[smem:$0x3FB0] =	sst s6  }
0xf: {  	[smem:$0x3FB1] =	sst s7  }
0x10: {  	[smem:$0x3FB2] =	sst s8  }
0x11: {  	[smem:$0x3FB3] =	sst s9;
	s0 =	simm.s32 @!p0 $0x0  }
0x12: {  	s1 =	sld [smem:$0x3F99];
	s0 =	simm.s32 @p0 $0x1  }
0x13: {  	[smem:$0x3FB4] =	sst s0;
	s0 =	simm.s32 @!p1 $0x0  }
0x14: {  	s2 =	sld [smem:$0x3F98];
	s0 =	simm.s32 @p1 $0x1  }
0x15: {  	[smem:$0x3FB5] =	sst s0;
	s0 =	simm.s32 @!p2 $0x0  }
0x16: {  	s3 =	sld [smem:$0x3FDB];
	s0 =	simm.s32 @p2 $0x1  }
0x17: {  	s4 =	simm.s32 $0x1BF5;
	[smem:$0x3FB7] =	sst s0  }
0x18: {  	s0 =	sld [smem:$0x3F9A];
	_ =	swait.ge [sflag:s4], $0x0  }
0x19: {  	s7 =	sld [smem:$0x3F9B]  }
0x1a: {  	s8 =	sadd.s32 $0xFFFFE003, lr  }
0x1b: {  	s9 =	sadd.s32 $0xFFFFFEF7, lr;
	s5 =	simm.s32 $0xFFFFFFFF;
	p2 =	slt.u32 s8, $0xFFFFF086  }
0x1c: {  	p1 =	slt.u32 s9, $0xF7A;
	s5 =	simm.s32 @!p2 $0x0  }
0x1d: {  	s5 =	simm.s32 @p1 $0x1;
	p0 =	seq.s32 s7, s2  }
0x1e: {  	s7 =	smul.u32 @!p0 $0xF7A, s2;
	p2 =	seq.s32 @!p0 s5, $0x0  }
0x1f: {  	s9 =	smul.u32 $0xF7A, s1;
	s8 =	simm.s32 @!p0 $0x1BF5;
	p2 =	por !p2, p0  }
0x20: {  	[sflag:s8] =	ssyncset.s32 @!p0 $0xFFFFF086;
	s6 =	sadd.s32 @!p0 s3, s7;
	s7 =	simm.s32 @!p0 $0x108  }
0x21: {  	s3 =	sadd.s32 s3, s9;
	s6 =	sadd.s32 @!p0 $0x88, s6;
	s7 =	simm.s32 @p2 $0x1082  }
0x22: {  	[simem:s7], [sflag:s8] =	dma.local @!p0 [hbm:s6], $0xF7A  }
0x23: {  	s9 =	sor.u32 $0xD0000000, s2;
	s6 =	simm.s32 $0x108;
	_ =	swait.ge @!p0 [sflag:s8], $0x0  }
0x24: {  	s3 =	sadd.s32 $0x88, s3;
	s6 =	simm.s32 @!p1 $0x1082;
	[sflag:s4] =	ssyncset.s32 $0xFFFFF086  }
0x25: {  	[simem:s6], [sflag:s4] =	dma.local [hbm:s3], $0xF7A  }
0x26: {  	[smem:$0x3F9B] =	sst s1;
	(tag) =	ssettag s2;
	_ =	strace s9  }
0x27: {  	s1 =	sld [smem:$0x3FAB]  }
0x28: {  	s2 =	sld [smem:$0x3FAC]  }
0x29: {  	s4 =	sld [smem:$0x3FAE]  }
0x2a: {  	p0 =	seq.s32 s5, $0x0;
	s5 =	sld [smem:$0x3FAF]  }
0x2b: {  	s6 =	sld [smem:$0x3FB0]  }
0x2c: {  	s7 =	sld [smem:$0x3FB1]  }
0x2d: {  	s3 =	simm.s32 $0x108;
	s8 =	sld [smem:$0x3FB2]  }
0x2e: {  	s3 =	simm.s32 @!p0 $0x1082;
	s9 =	sld [smem:$0x3FB3]  }
0x2f: {  	lr =	sadd.s32 s0, s3;
	s0 =	sld [smem:$0x3FAA]  }
0x30: {  	s3 =	sld [smem:$0x3FAD]  }
0x31: {  	[smem:$0x3FB6] =	sst s10  }
0x32: {  	s10 =	sld [smem:$0x3FB4];
	_ =	sdelay $0x3  }
0x33: {  	p0 =	seq.s32 s10, $0x1;
	s10 =	sld [smem:$0x3FB6];
	_ =	sdelay $0x3  }
0x34: {  	[smem:$0x3FB6] =	sst s10  }
0x35: {  	s10 =	sld [smem:$0x3FB5];
	_ =	sdelay $0x3  }
0x36: {  	p1 =	seq.s32 s10, $0x1;
	s10 =	sld [smem:$0x3FB6];
	_ =	sdelay $0x3  }
0x37: {  	[smem:$0x3FB6] =	sst s10  }
0x38: {  	s10 =	sld [smem:$0x3FB7]  }
0x39: {  	_ = 	snop;
	(pc) =	sbr.ind lr, $3  }
0x3a: {  	_ = 	snop  }
0x3b: {  	_ = 	snop  }
0x3c: {  	p2 =	seq.s32 s10, $0x1;
	s10 =	sld [smem:$0x3FB6]  }
0x3d: {  	_ =	shalt  }
0x3e: {  	_ =	shalt  }
0x3f: {  	_ =	shalt  }
0x40: {  	_ =	shalt  }
0x41: {  	_ =	shalt  }
0x42: {  	_ =	shalt  }
0x43: {  	_ =	shalt  }
0x44: {  	_ =	shalt  }
0x45: {  	_ =	shalt  }
0x46: {  	_ =	shalt  }
0x47: {  	_ =	shalt  }
0x48: {  	_ =	shalt  }
0x49: {  	_ =	shalt  }
0x4a: {  	_ =	shalt  }
0x4b: {  	_ =	shalt  }
0x4c: {  	_ =	shalt  }
0x4d: {  	_ =	shalt  }
0x4e: {  	_ =	shalt  }
0x4f: {  	_ =	shalt  }
0x50: {  	_ =	shalt  }
0x51: {  	_ =	shalt  }
0x52: {  	_ =	shalt  }
0x53: {  	_ =	shalt  }
0x54: {  	_ =	shalt  }
0x55: {  	_ =	shalt  }
0x56: {  	_ =	shalt  }
0x57: {  	_ =	shalt  }
0x58: {  	_ =	shalt  }
0x59: {  	_ =	shalt  }
0x5a: {  	_ =	shalt  }
0x5b: {  	_ =	shalt  }
0x5c: {  	_ =	shalt  }
0x5d: {  	_ =	shalt  }
0x5e: {  	_ =	shalt  }
0x5f: {  	_ =	shalt  }
0x60: {  	_ =	shalt  }
0x61: {  	_ =	shalt  }
0x62: {  	_ =	shalt  }
0x63: {  	_ =	shalt  }
0x64: {  	_ =	shalt  }
0x65: {  	_ =	shalt  }
0x66: {  	_ =	shalt  }
0x67: {  	_ =	shalt  }
0x68: {  	_ =	shalt  }
0x69: {  	_ =	shalt  }
0x6a: {  	_ =	shalt  }
0x6b: {  	_ =	shalt  }
0x6c: {  	_ =	shalt  }
0x6d: {  	_ =	shalt  }
0x6e: {  	_ =	shalt  }
0x6f: {  	_ =	shalt  }
0x70: {  	_ =	shalt  }
0x71: {  	_ =	shalt  }
0x72: {  	_ =	shalt  }
0x73: {  	_ =	shalt  }
0x74: {  	_ =	shalt  }
0x75: {  	_ =	shalt  }
0x76: {  	_ =	shalt  }
0x77: {  	_ =	shalt  }
0x78: {  	_ =	shalt  }
0x79: {  	_ =	shalt  }
0x7a: {  	_ =	shalt  }
0x7b: {  	_ =	shalt  }
0x7c: {  	_ =	shalt  }
0x7d: {  	_ =	shalt  }
0x7e: {  	_ =	shalt  }
0x7f: {  	_ =	shalt  }
0x80: {  	_ =	shalt  }
0x81: {  	_ =	shalt  }
0x82: {  	_ =	shalt  }
0x83: {  	_ =	shalt  }
0x84: {  	_ =	shalt  }
0x85: {  	_ =	shalt  }
0x86: {  	_ =	shalt  }
0x87: {  	_ =	shalt  }
.Lfunc_end0:
.L_simem_size_0:
called_computation_lowered:
.L_overlay_start_0:
0x88: {  	s2 =	sld [smem:$0x3FD9]  }
0x89: {  	s3 =	sld [smem:$0x3FFE];
	_ =	sdelay $0x1  }
0x8a: {  	s1 =	srdreg.scid  }
0x8b: {  	s0 =	sand.u32 $0x1, s1  }
0x8c: {  	s17 =	sshll.u32 s0, $0xA;
	s2 =	sadd.s32 s3, s2  }
0x8d: {  	s2 =	sadd.s32 s2, s17  }
0x8e: {  	[smem:$0x3FC2] =	sst s2  }
0x8f: {  	_ = 	snop  }
0x90: {  	s2 =	sld [smem:$0x3FD0];
	(tm) =	ssettm $0x1  }
0x91: {  	s18 =	sld [smem:$0x3FFB];
	_ =	sdelay $0x3  }
0x92: {  	_ =	strace s18  }
0x93: {  	s3 =	sld [smem:$0x3FFC];
	_ =	sdelay $0x3  }
0x94: {  	_ =	strace s3  }
0x95: {  	s3 =	sld [smem:$0x3FFD];
	_ =	sdelay $0x3  }
0x96: {  	_ =	strace s3  }
0x97: {  	_ =	strace $0x8FFFFFFF  }
0x98: {  	s19 =	sld [smem:$0x3FDB];
	_ =	sdelay $0x1  }
0x99: {  	s4 =	simm.s32 $_scs_section_size  }
0x9a: {  	s5 =	simm.s32 $_size__tile_overlayer_lowered;
	s6 =	simm.s32 $_tile_overlayer_lowered  }
0x9b: {  	s22 =	simm.s32 $0x1BFF;
	s21 =	sshll.u32 s6, $0x1;
	s3 =	sadd.s32 s4, s19  }
0x9c: {  	s7 =	simm.s32 $0x0;
	s20 =	sshll.u32 s5, $0x1;
	s5 =	sadd.s32 s21, s3  }
0x9d: {  	[timem:s7], [sflag:s22] =	dma.local [hbm:s5], s20  }
0x9e: {  	_ =	swait.ge [sflag:s22], s20  }
0x9f: {  	s4 =	ssub.s32 $0x0, s20;
	[sflag:s22] =	ssyncset.done $0x0  }
0xa0: {  	[sflag:s22] =	ssyncadd.s32 s4;
	_ =	sdelay $0x1  }
0xa1: {  	s23 =	simm.s32 $0x1B8B  }
0xa2: {  	_ =	swait.ge [sflag:s23], $0x1  }
0xa3: {  	[sflag:s23] =	ssyncset.done $0x0  }
0xa4: {  	s25 =	simm.s32 $0x1B8E;
	s24 =	sld [smem:$0x3FFE];
	[sflag:s23] =	ssyncadd.s32 $0xFFFFFFFF  }
0xa5: {  	s26 =	simm.s32 $execute0_lowered;
	[smem:$0x3FD2] =	sst s25  }
0xa6: {  	s5 =	sshll.u32 s26, $0x1;
	_ =	strace $0x80000046;
	[dreg:$0x1] =	wrdreg $0xFFFFFFFF  }
0xa7: {  	s28 =	simm.s32 $_size_execute0_lowered;
	s3 =	sadd.s32 s3, s5;
	[dreg:$0x0] =	wrdreg $0x0  }
0xa8: {  	s5 =	sshll.u32 s28, $0x1;
	[dreg:$0x2] =	wrdreg s3  }
0xa9: {  	[dreg:$0x3] =	wrdreg s5  }
0xaa: {  	[dreg:$0x4] =	wrdreg $0xC0  }
0xab: {  	_ =	task [dreg:s7], $0x5FFFF  }
0xac: {  	[dreg:$0x1] =	wrdreg $0xFFFFFFFF  }
0xad: {  	[dreg:$0x0] =	wrdreg $0x60  }
0xae: {  	[dreg:$0x2] =	wrdreg s24  }
0xaf: {  	[dreg:$0x3] =	wrdreg s2  }
0xb0: {  	[dreg:$0x4] =	wrdreg $0x7E200  }
0xb1: {  	[dreg:$0x5] =	wrdreg $0xA6200  }
0xb2: {  	[dreg:$0x6] =	wrdreg $0x9  }
0xb3: {  	_ =	task.clear_ibuf [dreg:s7], $0x7FFFF;
	_ =	strace $0x90000046  }
0xb4: {  	s29 =	simm.s32 $0x9;
	_ =	strace $0x80000048  }
0xb5: {  	_ =	swait.ge [sflag:s29], $0x1  }
0xb6: {  	[sflag:s29] =	ssyncadd.s32 $0xFFFFFFFF  }
0xb7: {  	_ =	strace $0x90000048  }
0xb8: {  	_ =	sfence  }
0xb9: {  	s30 =	sld [smem:$0x0];
	_ =	sdelay $0x2  }
0xba: {  	s31 =	sshll.u32 s1, $0xD;
	s1 =	sshrl.u32 s1, $0x2  }
0xbb: {  	s3 =	sand.u32 $0x4000, s31;
	s1 =	sadd.s32 s1, s30  }
0xbc: {  	s0 =	sor.u32 s3, s0;
	s1 =	sshll.u32 s1, $0x11  }
0xbd: {  	s0 =	sor.u32 s1, s0  }
0xbe: {  	s0 =	sadd.s32 $0x8F2B, s0  }
0xbf: {  	[sflag:s0] =	ssyncadd.remote.s32 $0x1  }
0xc0: {  	_ =	sfence.sel $0xFFFF  }
0xc1: {  	[dreg:$0x0] =	wrdreg $0xFFFFFFFF;
	(pc) =	sbr.abs _section_cstart, $3  }
0xc2: {  	[dreg:$0x1] =	wrdreg $0xFFFFFFFF  }
0xc3: {  	_ =	task.clear_ibuf [dreg:s7], $0x2FFFF;
	_ =	strace $0x9FFFFFFF  }
0xc4: {  	(tm) =	ssettm $0x7FFFFFFF  }
0xc5: {  	_ =	shalt  }
tec
execute0_lowered:
.L_overlay_start_1:
0x0: {  	(tag) =	ssettag $0x1  }
0x1: {  	s1 =	rddreg [dreg:$0x0]  }
0x2: {  	s0 =	srdreg.scid;
	s10 =	rddreg [dreg:$0x1]  }
0x3: {  	s13 =	stileid.u32;
	s2 =	rddreg [dreg:$0x2]  }
0x4: {  	s16 =	simm.s32 $0x80;
	s17 =	simm.s32 $0x4E20;
	s20 =	simm.s32 $0x5E20  }
0x5: {  	s28 =	simm.s32 $0x1;
	s29 =	simm.s32 $0x3;
	s30 =	simm.s32 $0x5  }
0x6: {  	s31 =	simm.s32 $0x6;
	s18 =	simm.s32 $0x0;
	s7 =	smul.u32 $0x2710, s13  }
0x7: {  	s0 =	sand.u32 $0x1, s0;
	s8 =	smul.u32 $0x2800, s13;
	s24 =	sshll.u32 s13, $0x6  }
0x8: {  	s3 =	sshll.u32 s0, $0x4;
	s6 =	ssub.s32 $0x2, s0;
	s0 =	smul.u32 $0x28000, s0  }
0x9: {  	s4 =	sor.u32 s13, s3;
	s3 =	rddreg [dreg:$0x3];
	s22 =	sshrl.u32 s7, $0x3  }
0xa: {  	s12 =	sshrl.u32 s6, $0x1;
	s25 =	sadd.s32 s8, s2;
	s13 =	simm.s32 $0x7  }
0xb: {  	s5 =	smul.u32 $0x2710, s4;
	s4 =	simm.s32 $0x0;
	s11 =	sadd.s32 s22, s1  }
0xc: {  	s23 =	ssub.s32 s6, s12;
	s6 =	sor.u32 $0x1C07, s24;
	s0 =	sadd.s32 s8, s0  }
0xd: {  	s14 =	sadd.s32 s7, s3;
	s12 =	sshrl.u32 s25, $0x3;
	s24 =	simm.s32 $0x6E20  }
0xe: {  	[smem:$0x7FF] =	sst s4;
	s0 =	sshrl.u32 s0, $0x3;
	s14 =	sshrl.u32 s14, $0x3  }
.Ltmp0:
0xf: {  	s5 =	sshrl.u32 s5, $0x3;
	_ =	strace $0x80000047;
	(pc) =	sbr.rel .LBB2_1-.Ltmp0, $4  }
0x10: {  	s10 =	sadd.s32 s10, s0;
	s9 =	sadd.s32 s5, s1;
	s1 =	sadd.s32 $0x19C00, s1  }
0x11: {  	s5 =	sadd.s32 $0x14C00, s11;
	s11 =	smax.u32 s23, $0x1;
	[dreg:$0x5] =	wrdreg s1  }
0x12: {  	[dreg:$0x6] =	wrdreg s5;
	s26 =	sadd.s32 $0x1200, s9;
	s9 =	sadd.s32 $0xAE40, s9  }
0x13: {  	s1 =	simm.s32 $0x10;
	[dreg:$0x7] =	wrdreg s26;
	s26 =	simm.s32 $0x7620  }
.LBB2_4:
0x14: {  	_ =	swait.ge [sflag:s31], $0x800  }
0x15: {  	[sflag:s31] =	ssyncset.done $0x0  }
0x16: {  	[sflag:s31] =	ssyncadd.s32 $0xFFFFF800  }
0x17: {  	[spmem:s2] =	stream.indirect.scatter.add.f32 [tilespmem:s26], [sflag:$0x7], $0x10, s22, s16, $0xb8;
	[tilespmem:$0xCD30] =	vst v63  }
0x18: {  	_ =	swait.ge [sflag:s13], $0x800  }
0x19: {  	[sflag:s13] =	ssyncset.done $0x0  }
0x1a: {  	s0 =	simm.s32 $0x2700;
	[sflag:s13] =	ssyncadd.s32 $0xFFFFF800  }
0x1b: {  	[tilespmem:s17], [sflag:$0x1] =	stream.indirect.gather [spmem:s3], $0x10, s0, s1, $0xb8;
	[tilespmem:$0xCD30] =	vst v63  }
0x1c: {  	_ =	swait.ge [sflag:s28], $0x100  }
0x1d: {  	[sflag:s28] =	ssyncset.done $0x0  }
0x1e: {  	s25 =	simm.s32 $0x4E10;
	[sflag:s28] =	ssyncadd.s32 $0xFFFFFF00  }
0x1f: {  	[spmem:s2] =	stream.indirect.scatter.add.f32 [tilespmem:s17], [sflag:$0x7], $0x10, s25, s1, $0xb8;
	[tilespmem:$0xCD30] =	vst v63  }
0x20: {  	_ =	swait.ge [sflag:s13], $0x100  }
0x21: {  	s18 =	sadd.s32 $0x1, s18;
	[sflag:s13] =	ssyncset.done $0x0  }
0x22: {  	p0 =	sne.s32 s18, s11;
	[sflag:s13] =	ssyncadd.s32 $0xFFFFFF00  }
.Ltmp1:
0x23: {  	[bflag:$0x0] =	sbarrier.arrive $0xFFFF;
	(pc) =	sbr.rel @!p0 .LBB2_5-.Ltmp1, $4  }
0x24: {  	[hbm:s10], [sflag:s6] =	dma.local [spmem:s12], $0x500  }
0x25: {  	_ =	swait.ge [sflag:s13], $0x500  }
0x26: {  	[sflag:s13] =	ssyncset.done $0x0  }
0x27: {  	[sflag:s13] =	ssyncadd.s32 $0xFFFFFB00  }
.LBB2_1:
0x28: {  	s0 =	rddreg [dreg:$0x5]  }
0x29: {  	[spmem:s12], [sflag:s6] =	dma.local [hbm:s0], $0x500  }
0x2a: {  	_ =	swait.ge [sflag:s13], $0x500  }
0x2b: {  	[sflag:s13] =	ssyncset.done $0x0  }
0x2c: {  	s7 =	rddreg [dreg:$0x6];
	[sflag:s13] =	ssyncadd.s32 $0xFFFFFB00  }
0x2d: {  	[spmem:s14], [sflag:s6] =	dma.local [hbm:s7], $0x4E2  }
0x2e: {  	_ =	swait.ge [sflag:s13], $0x4E2  }
0x2f: {  	[sflag:s13] =	ssyncset.done $0x0  }
0x30: {  	s8 =	rddreg [dreg:$0x7];
	[sflag:s13] =	ssyncadd.s32 $0xFFFFFB1E  }
0x31: {  	[tilespmem:s4], [sflag:$0x7] =	stream.linear.gather [hbm4b:s8+s4], $0x2710, $0x38;
	[tilespmem:$0xCD30] =	vst v63  }
0x32: {  	_ =	swait.ge [sflag:s13], $0x2710  }
0x33: {  	[sflag:s13] =	ssyncset.done $0x0  }
0x34: {  	s15 =	simm.s32 $0x2710;
	[sflag:s13] =	ssyncadd.s32 $0xFFFFD8F0  }
0x35: {  	[tilespmem:s15], [sflag:$0x7] =	stream.linear.gather [hbm4b:s9+s4], $0x2710, $0x38;
	[tilespmem:$0xCD30] =	vst v63  }
0x36: {  	_ =	swait.ge [sflag:s13], $0x2710  }
0x37: {  	[sflag:s13] =	ssyncset.done $0x0  }
0x38: {  	[sflag:s13] =	ssyncadd.s32 $0xFFFFD8F0  }
0x39: {  	[bflag:$0x0] =	sbarrier.arrive $0xFFFF  }
0x3a: {  	[tilespmem:s17], [sflag:$0x1] =	stream.indirect.gather [spmem:s3], $0x10, s4, s16, $0xb8;
	[tilespmem:$0xCD30] =	vst v63  }
0x3b: {  	s19 =	simm.s32 $0x5620  }
0x3c: {  	[tilespmem:s19], [sflag:$0x2] =	stream.indirect.gather [spmem:s3], $0x10, s16, s16, $0xb8;
	[tilespmem:$0xCD30] =	vst v63  }
0x3d: {  	s21 =	simm.s32 $0x100  }
0x3e: {  	[tilespmem:s20], [sflag:$0x3] =	stream.indirect.gather [spmem:s3], $0x10, s21, s16, $0xb8;
	[tilespmem:$0xCD30] =	vst v63  }
0x3f: {  	s22 =	simm.s32 $0x180;
	s5 =	simm.s32 $0x6620  }
0x40: {  	[tilespmem:s5], [sflag:$0x4] =	stream.indirect.gather [spmem:s3], $0x10, s22, s16, $0xb8;
	[tilespmem:$0xCD30] =	vst v63  }
0x41: {  	s23 =	simm.s32 $0x200  }
0x42: {  	[tilespmem:s24], [sflag:$0x5] =	stream.indirect.gather [spmem:s3], $0x10, s23, s16, $0xb8;
	[tilespmem:$0xCD30] =	vst v63  }
0x43: {  	s25 =	simm.s32 $0x280;
	s19 =	simm.s32 $0x0  }
0x44: {  	[tilespmem:s26], [sflag:$0x6] =	stream.indirect.gather [spmem:s3], $0x10, s25, s16, $0xb8;
	[tilespmem:$0xCD30] =	vst v63  }
.LBB2_2:
0x45: {  	_ =	swait.ge [sflag:s28], $0x800  }
0x46: {  	s21 =	sshra.s32 s19, $0x2;
	[sflag:s28] =	ssyncset.done $0x0  }
0x47: {  	s22 =	sadd.s32 $0x2710, s21;
	[sflag:s28] =	ssyncadd.s32 $0xFFFFF800  }
0x48: {  	[spmem:s2] =	stream.indirect.scatter.add.f32 [tilespmem:s17], [sflag:$0x7], $0x10, s22, s16, $0xb8;
	[tilespmem:$0xCD30] =	vst v63  }
0x49: {  	_ =	swait.ge [sflag:s13], $0x800  }
0x4a: {  	p0 =	seq.s32 s19, $0x9000;
	[sflag:s13] =	ssyncset.done $0x0  }
0x4b: {  	s22 =	simm.s32 @p0 $0x2;
	[sflag:s13] =	ssyncadd.s32 $0xFFFFF800  }
0x4c: {  	_ =	swait.ge @p0 [sflag:s22], $0x800  }
0x4d: {  	[sflag:s22] =	ssyncset.done @p0 $0x0  }
0x4e: {  	[sflag:s22] =	ssyncadd.s32 @p0 $0xFFFFF800;
	s22 =	sshra.s32 @p0 s19, $0x2  }
0x4f: {  	s25 =	simm.s32 @p0 $0x80;
	s0 =	simm.s32 @p0 $0x5620;
	s23 =	sadd.s32 @p0 $0x2790, s22  }
0x50: {  	[spmem:s2] =	stream.indirect.scatter.add.f32 @p0 [tilespmem:s0], [sflag:$0x7], $0x10, s23, s25, $0xb8;
	[tilespmem:$0xCD30] =	vst v63  }
0x51: {  	s0 =	simm.s32 @p0 $0x7  }
0x52: {  	_ =	swait.ge @p0 [sflag:s0], $0x800  }
0x53: {  	s5 =	simm.s32 @!p0 $0x80;
	s23 =	sshra.s32 @!p0 s19, $0x2;
	[sflag:s0] =	ssyncset.done @p0 $0x0  }
0x54: {  	s7 =	simm.s32 @!p0 $0x4E20;
	s15 =	sadd.s32 @!p0 $0x300, s23;
	[sflag:s0] =	ssyncadd.s32 @p0 $0xFFFFF800  }
0x55: {  	[tilespmem:s7], [sflag:$0x1] =	stream.indirect.gather @!p0 [spmem:s3], $0x10, s15, s5, $0xb8;
	[tilespmem:$0xCD30] =	vst v63  }
0x56: {  	s7 =	simm.s32 @!p0 $0x2  }
0x57: {  	_ =	swait.ge @!p0 [sflag:s7], $0x800  }
0x58: {  	[sflag:s7] =	ssyncset.done @!p0 $0x0  }
0x59: {  	s15 =	simm.s32 @!p0 $0x5620;
	[sflag:s7] =	ssyncadd.s32 @!p0 $0xFFFFF800;
	s7 =	sadd.s32 @!p0 $0x2790, s23  }
0x5a: {  	[spmem:s2] =	stream.indirect.scatter.add.f32 @!p0 [tilespmem:s15], [sflag:$0x7], $0x10, s7, s5, $0xb8;
	[tilespmem:$0xCD30] =	vst v63  }
0x5b: {  	s7 =	simm.s32 @!p0 $0x7  }
0x5c: {  	_ =	swait.ge @!p0 [sflag:s7], $0x800  }
0x5d: {  	[sflag:s7] =	ssyncset.done @!p0 $0x0  }
0x5e: {  	s8 =	sadd.s32 @!p0 $0x380, s23;
	[sflag:s7] =	ssyncadd.s32 @!p0 $0xFFFFF800  }
0x5f: {  	[tilespmem:s15], [sflag:$0x2] =	stream.indirect.gather @!p0 [spmem:s3], $0x10, s8, s5, $0xb8;
	[tilespmem:$0xCD30] =	vst v63  }
0x60: {  	_ =	swait.ge [sflag:s29], $0x800  }
0x61: {  	[sflag:s29] =	ssyncset.done $0x0  }
0x62: {  	s15 =	sadd.s32 $0x2810, s21;
	[sflag:s29] =	ssyncadd.s32 $0xFFFFF800  }
0x63: {  	[spmem:s2] =	stream.indirect.scatter.add.f32 [tilespmem:s20], [sflag:$0x7], $0x10, s15, s16, $0xb8;
	[tilespmem:$0xCD30] =	vst v63  }
0x64: {  	_ =	swait.ge [sflag:s13], $0x800  }
0x65: {  	[sflag:s13] =	ssyncset.done $0x0  }
0x66: {  	s8 =	simm.s32 @p0 $0x4;
	[sflag:s13] =	ssyncadd.s32 $0xFFFFF800  }
0x67: {  	_ =	swait.ge @p0 [sflag:s8], $0x800  }
0x68: {  	[sflag:s8] =	ssyncset.done @p0 $0x0  }
0x69: {  	s15 =	simm.s32 @p0 $0x6620;
	[sflag:s8] =	ssyncadd.s32 @p0 $0xFFFFF800;
	s8 =	sadd.s32 @p0 $0x2890, s22  }
0x6a: {  	[spmem:s2] =	stream.indirect.scatter.add.f32 @p0 [tilespmem:s15], [sflag:$0x7], $0x10, s8, s25, $0xb8;
	[tilespmem:$0xCD30] =	vst v63  }
0x6b: {  	_ =	swait.ge @p0 [sflag:s0], $0x800  }
0x6c: {  	[sflag:s0] =	ssyncset.done @p0 $0x0  }
0x6d: {  	s8 =	simm.s32 @!p0 $0x5E20;
	[sflag:s0] =	ssyncadd.s32 @p0 $0xFFFFF800;
	s0 =	sadd.s32 @!p0 $0x400, s23  }
0x6e: {  	[tilespmem:s8], [sflag:$0x3] =	stream.indirect.gather @!p0 [spmem:s3], $0x10, s0, s5, $0xb8;
	[tilespmem:$0xCD30] =	vst v63  }
0x6f: {  	s0 =	simm.s32 @!p0 $0x4  }
0x70: {  	_ =	swait.ge @!p0 [sflag:s0], $0x800  }
0x71: {  	[sflag:s0] =	ssyncset.done @!p0 $0x0  }
0x72: {  	s8 =	simm.s32 @!p0 $0x6620;
	[sflag:s0] =	ssyncadd.s32 @!p0 $0xFFFFF800;
	s0 =	sadd.s32 @!p0 $0x2890, s23  }
0x73: {  	[spmem:s2] =	stream.indirect.scatter.add.f32 @!p0 [tilespmem:s8], [sflag:$0x7], $0x10, s0, s5, $0xb8;
	[tilespmem:$0xCD30] =	vst v63  }
0x74: {  	_ =	swait.ge @!p0 [sflag:s7], $0x800  }
0x75: {  	[sflag:s7] =	ssyncset.done @!p0 $0x0  }
0x76: {  	s0 =	sadd.s32 @!p0 $0x480, s23;
	[sflag:s7] =	ssyncadd.s32 @!p0 $0xFFFFF800  }
0x77: {  	[tilespmem:s8], [sflag:$0x4] =	stream.indirect.gather @!p0 [spmem:s3], $0x10, s0, s5, $0xb8;
	[tilespmem:$0xCD30] =	vst v63  }
0x78: {  	_ =	swait.ge [sflag:s30], $0x800  }
0x79: {  	[sflag:s30] =	ssyncset.done $0x0  }
.Ltmp2:
0x7a: {  	s25 =	sadd.s32 $0x2910, s21;
	[sflag:s30] =	ssyncadd.s32 $0xFFFFF800;
	(pc) =	sbr.rel @p0 .LBB2_4-.Ltmp2, $4  }
0x7b: {  	[spmem:s2] =	stream.indirect.scatter.add.f32 [tilespmem:s24], [sflag:$0x7], $0x10, s25, s16, $0xb8;
	[tilespmem:$0xCD30] =	vst v63  }
0x7c: {  	_ =	swait.ge [sflag:s13], $0x800  }
0x7d: {  	[sflag:s13] =	ssyncset.done $0x0  }
0x7e: {  	s22 =	sadd.s32 $0x2990, s21;
	[sflag:s13] =	ssyncadd.s32 $0xFFFFF800  }
0x7f: {  	s0 =	sadd.s32 $0x500, s21  }
0x80: {  	[tilespmem:s24], [sflag:$0x5] =	stream.indirect.gather [spmem:s3], $0x10, s0, s16, $0xb8;
	[tilespmem:$0xCD30] =	vst v63  }
0x81: {  	_ =	swait.ge [sflag:s31], $0x800  }
0x82: {  	[sflag:s31] =	ssyncset.done $0x0  }
0x83: {  	[sflag:s31] =	ssyncadd.s32 $0xFFFFF800  }
0x84: {  	[spmem:s2] =	stream.indirect.scatter.add.f32 [tilespmem:s26], [sflag:$0x7], $0x10, s22, s16, $0xb8;
	[tilespmem:$0xCD30] =	vst v63  }
.Ltmp3:
0x85: {  	_ = 	snop;
	(pc) =	sbr.rel .LBB2_2-.Ltmp3, $4  }
0x86: {  	_ =	swait.ge [sflag:s13], $0x800  }
0x87: {  	[sflag:s13] =	ssyncset.done $0x0  }
0x88: {  	s25 =	sadd.s32 $0x580, s21;
	s19 =	sadd.s32 $0xC00, s19;
	[sflag:s13] =	ssyncadd.s32 $0xFFFFF800  }
0x89: {  	[tilespmem:s26], [sflag:$0x6] =	stream.indirect.gather [spmem:s3], $0x10, s25, s16, $0xb8;
	[tilespmem:$0xCD30] =	vst v63  }
.LBB2_5:
0x8a: {  	_ =	sfence.sel $0x180000  }
0x8b: {  	[bflag:$0x0] =	sbarrier.arrive $0xFFFF  }
0x8c: {  	_ =	strace $0x90000047  }
0x8d: {  	s0 =	stileid.u32;
	[bflag:$0x2] =	sbarrier.arrive $0xFFFF  }
0x8e: {  	p0 =	sne.s32 s0, $0x0;
	s0 =	rddreg [dreg:$0x4]  }
0x8f: {  	s0 =	sadd.s32 @!p0 $0x100000, s0  }
0x90: {  	[sflag:s0] =	ssyncadd.tile.s32 @!p0 $0x1;
	_ =	shalt  }
.Lfunc_end2:
_tile_overlayer_lowered:
.L_overlay_start_2:
0x91: {  	(tag) =	ssettag $0x2  }
0x92: {  	s0 =	rddreg [dreg:$0x0];
	s2 =	stileid.u32  }
0x93: {  	s1 =	rddreg [dreg:$0x1];
	p0 =	sne.s32 s2, $0x0  }
0x94: {  	s3 =	rddreg [dreg:$0x2];
	[bflag:$0x3] =	sbarrier.arrive $0xFFFF;
	s2 =	simm.s32 @!p0 $0x1C07  }
0x95: {  	[timem:s3], [sflag:s2] =	dma.local @!p0 [hbm:s0], s1  }
0x96: {  	s0 =	simm.s32 @!p0 $0x7  }
0x97: {  	_ =	swait.ge @!p0 [sflag:s0], s1  }
0x98: {  	s1 =	ssub.s32 @!p0 $0x0, s1;
	[sflag:s0] =	ssyncset.done @!p0 $0x0  }
0x99: {  	[sflag:s0] =	ssyncadd.s32 @!p0 s1  }
0x9a: {  	[bflag:$0x3] =	sbarrier.arrive $0xFFFF  }
0x9b: {  	_ =	shalt  }

</sc_bundles>
